<compile_context>
chip_gen: v7x
topology: tpu7x:2x2x1
jax: 0.10.2.dev20260603
libtpu: 0.0.44.dev20260713+nightly
codegen_flags: <defaults>
</compile_context>

<pallas_src>
import functools
import jax
import jax.numpy as jnp
from jax import lax
from jax.experimental import pallas as pl
from jax.experimental.pallas import tpu as pltpu
from jax.experimental.pallas import tpu_sc as plsc

B = 4096
L = 200
D = 64
CHUNKS = ((0, 104), (104, 96))
NBUF = 2


def _sc_kernel(rid_hbm, e_hbm, table_hbm, out_hbm,
               idx_all, w_v, e_v, o_v, sems):
    info = plsc.get_sparse_core_info()
    nc = info.num_cores
    wid = lax.axis_index("s") * nc + lax.axis_index("c")
    b_per_w = B // (nc * info.num_subcores)
    base = wid * b_per_w

    pltpu.sync_copy(rid_hbm.at[pl.ds(base * L, b_per_w * L)], idx_all)

    def issue(bi, slot):
        for off, c in CHUNKS:
            pltpu.async_copy(
                table_hbm.at[idx_all.at[pl.ds(bi * L + off, c)]],
                w_v.at[slot].at[pl.ds(off, c)], sems.at[slot])
        pltpu.async_copy(e_hbm.at[base + bi], e_v.at[slot], sems.at[slot])

    def drain(slot):
        for off, c in CHUNKS:
            pltpu.make_async_copy(e_hbm.at[0].at[pl.ds(0, c)],
                                  w_v.at[slot].at[pl.ds(off, c)],
                                  sems.at[slot]).wait()
        pltpu.make_async_copy(e_hbm.at[0], e_v.at[slot],
                              sems.at[slot]).wait()

    rot = [(jnp.arange(16, dtype=jnp.int32) + sh) & 15 for sh in (8, 4, 2, 1)]
    dnums = lax.GatherDimensionNumbers(
        offset_dims=(), collapsed_slice_dims=(0,), start_index_map=(0,))

    def _allsum(v):
        for idx in rot:
            p = lax.gather(v, idx[:, None], dnums, (1,),
                           mode=lax.GatherScatterMode.PROMISE_IN_BOUNDS)
            v = v + p
        return v

    def compute(slot, b):
        wb = w_v.at[slot]
        eb = e_v.at[slot]

        def l_body(l2, carry):
            a0, a1, a2, a3 = carry
            for u in range(2):
                l = l2 * 2 + u
                w0 = wb[l, pl.ds(0, 16)]
                w1 = wb[l, pl.ds(16, 16)]
                w2 = wb[l, pl.ds(32, 16)]
                w3 = wb[l, pl.ds(48, 16)]
                e0 = eb[l, pl.ds(0, 16)]
                e1 = eb[l, pl.ds(16, 16)]
                e2 = eb[l, pl.ds(32, 16)]
                e3 = eb[l, pl.ds(48, 16)]
                s = _allsum(w0 * w0 + w1 * w1 + w2 * w2 + w3 * w3)
                d = _allsum(e0 * w0 + e1 * w1 + e2 * w2 + e3 * w3)
                coef = d / jnp.maximum(s, 1e-24)
                a0 = a0 + (e0 - coef * w0)
                a1 = a1 + (e1 - coef * w1)
                a2 = a2 + (e2 - coef * w2)
                a3 = a3 + (e3 - coef * w3)
            return (a0, a1, a2, a3)

        z = jnp.zeros((16,), jnp.float32)
        a0, a1, a2, a3 = lax.fori_loop(0, L // 2, l_body, (z, z, z, z))
        inv = jnp.float32(1.0 / L)
        o_v[pl.ds(0, 16)] = a0 * inv
        o_v[pl.ds(16, 16)] = a1 * inv
        o_v[pl.ds(32, 16)] = a2 * inv
        o_v[pl.ds(48, 16)] = a3 * inv
        pltpu.sync_copy(o_v, out_hbm.at[pl.ds(b * D, D)])

    issue(0, 0)

    def pair_body(p, _):
        for s2 in range(NBUF):
            bi = p * NBUF + s2
            drain(s2)

            @pl.when(bi + 1 < b_per_w)
            def _():
                issue(bi + 1, (s2 + 1) % NBUF)

            compute(s2, base + bi)
        return 0

    lax.fori_loop(0, b_per_w // NBUF, pair_body, 0)


@jax.jit
def _run(rid_flat, batch_nei_e_emb, w_r_table):
    mesh = plsc.VectorSubcoreMesh(core_axis_name="c", subcore_axis_name="s")
    kfn = functools.partial(
        pl.kernel,
        mesh=mesh,
        compiler_params=pltpu.CompilerParams(use_tc_tiling_on_sc=False),
        out_type=jax.ShapeDtypeStruct((B * D,), jnp.float32),
        scratch_types=[
            pltpu.VMEM((B // 32 * L,), jnp.int32),
            pltpu.VMEM((NBUF, L, D), jnp.float32),
            pltpu.VMEM((NBUF, L, D), jnp.float32),
            pltpu.VMEM((D,), jnp.float32),
            pltpu.SemaphoreType.DMA((NBUF,)),
        ],
    )(_sc_kernel)
    return kfn(rid_flat, batch_nei_e_emb, w_r_table).reshape(B, D)


def kernel(batch_nei_rid, batch_nei_e_emb, w_r_table):
    return _run(batch_nei_rid.reshape(-1), batch_nei_e_emb, w_r_table)

# --- scband reference (transcript-rebuilt; emitter-appended) ---
"""Pipeline reference for scband-encoder-mean-32521492365775 (READ-ONLY COPY).

The authoritative reference and input builder live on the scoring server;
editing this copy changes nothing except your own understanding.
"""

import jax, jax.numpy as jnp
import numpy as np

CNT_R = 100000
DIM = 64
ROWS = CNT_R * 2 + 1

def setup_inputs(seed: int = 0):
    key = jax.random.key(seed)
    k1, k2, k3 = jax.random.split(key, 3)
    batch_nei_rid = jax.random.randint(k1, (4096, 200), 0, ROWS)
    batch_nei_e_emb = jax.random.normal(k2, (4096, 200, DIM), dtype=jnp.float32)
    w_r_table = jax.random.normal(k3, (ROWS, DIM), dtype=jnp.float32) * 0.02
    return {"batch_nei_rid": batch_nei_rid, "batch_nei_e_emb": batch_nei_e_emb, "w_r_table": w_r_table}

def _projection(e, w_r):
    # torch F.normalize(p=2, dim=-1) with eps=1e-12
    norm = jnp.linalg.norm(w_r, ord=2, axis=-1, keepdims=True)
    norm2w_r = w_r / jnp.maximum(norm, 1e-12)
    return e - jnp.sum(e * norm2w_r, axis=-1, keepdims=True) * norm2w_r

def reference(batch_nei_rid, batch_nei_e_emb, w_r_table):
    w_r = jnp.take(w_r_table, batch_nei_rid, axis=0)  # embedding lookup [B, L, D]
    batch_nei_e_Tr_emb = _projection(batch_nei_e_emb, w_r)
    return jnp.mean(batch_nei_e_Tr_emb, axis=1)

if __name__ == "__main__":
    import jax
    _d = setup_inputs()
    print(jax.jit(kernel)(*tuple(_d.values())))

</pallas_src>

<mosaic_0001>
#map = affine_map<(d0, d1) -> (0)>
#map1 = affine_map<(d0, d1) -> (0, 0, 0)>
#map2 = affine_map<(d0, d1) -> (0, 0)>
module attributes {stable_mosaic.version = 14 : i64} {
  func.func @_sc_kernel(%arg0: i32, %arg1: i32, %arg2: memref<819200xi32, #tpu.memory_space<hbm>>, %arg3: memref<4096x200x64xf32, #tpu.memory_space<hbm>>, %arg4: memref<200001x64xf32, #tpu.memory_space<hbm>>, %arg5: memref<262144xf32, #tpu.memory_space<hbm>>, %arg6: memref<25600xi32, #tpu.memory_space<vmem>>, %arg7: memref<2x200x64xf32, #tpu.memory_space<vmem>>, %arg8: memref<2x200x64xf32, #tpu.memory_space<vmem>>, %arg9: memref<64xf32, #tpu.memory_space<vmem>>, %arg10: memref<2x!tpu.dma_semaphore, #tpu.memory_space<semaphore_mem>>) attributes {dimension_semantics = [#tpu.dimension_semantics<core_parallel>, #tpu.dimension_semantics<subcore_parallel>], iteration_bounds = array<i64: 2, 16>, scalar_prefetch = 0 : i64, scratch_operands = 5 : i64, tpu.core_type = #tpu.core_type<sc_vector_subcore>, window_params = [{transform_indices = #map}, {transform_indices = #map1}, {transform_indices = #map2}, {transform_indices = #map}]} {
    %mul3A = arith.constant 2 : i32
    %mul3A_0 = arith.muli %arg1, %mul3A : i32
    %add3A = arith.addi %mul3A_0, %arg0 : i32
    %mul3A_1 = arith.constant 128 : i32
    %mul3A_2 = arith.muli %add3A, %mul3A_1 : i32
    %mul3A_3 = arith.constant 200 : i32
    %mul3A_4 = arith.muli %mul3A_2, %mul3A_3 : i32
    "tpu.region"() ({
      %run_scoped3A = tpu.sem_alloc : memref<!tpu.dma_semaphore, #tpu.memory_space<semaphore_mem>>
      %dma_start3A_90 = tpu.memref_slice %arg2[%mul3A_4] : memref<819200xi32, #tpu.memory_space<hbm>> -> memref<25600xi32, #tpu.memory_space<hbm>>
      %dma_start3A_91 = tpu.memref_slice %arg2[%mul3A_4] : memref<819200xi32, #tpu.memory_space<hbm>> -> memref<25600xi32, #tpu.memory_space<hbm>>
      tpu.enqueue_dma source(%dma_start3A_91 : memref<25600xi32, #tpu.memory_space<hbm>>) target(%arg6 : memref<25600xi32, #tpu.memory_space<vmem>>) target_semaphore(%run_scoped3A : memref<!tpu.dma_semaphore, #tpu.memory_space<semaphore_mem>>)
      %dma_wait3A = tpu.memref_slice %arg2[%mul3A_4] : memref<819200xi32, #tpu.memory_space<hbm>> -> memref<25600xi32, #tpu.memory_space<hbm>>
      %dma_wait3A_92 = tpu.memref_slice %arg2[%mul3A_4] : memref<819200xi32, #tpu.memory_space<hbm>> -> memref<25600xi32, #tpu.memory_space<hbm>>
      tpu.wait_dma2 semaphore(%run_scoped3A : memref<!tpu.dma_semaphore, #tpu.memory_space<semaphore_mem>>) src(%dma_wait3A_92 : memref<25600xi32, #tpu.memory_space<hbm>>) dst(%arg6 : memref<25600xi32, #tpu.memory_space<vmem>>)
      tpu.yield
    }) : () -> ()
    %iota3A = tpu.iota {dimensions = array<i32: 0>} : vector<16xi32>
    %add3A_5 = arith.constant 8 : i32
    %add3A_6 = vector.broadcast %add3A_5 : i32 to vector<16xi32>
    %add3A_7 = arith.addi %iota3A, %add3A_6 : vector<16xi32>
    %and3A = arith.constant 15 : i32
    %and3A_8 = vector.broadcast %and3A : i32 to vector<16xi32>
    %and3A_9 = arith.andi %add3A_7, %and3A_8 : vector<16xi32>
    %iota3A_10 = tpu.iota {dimensions = array<i32: 0>} : vector<16xi32>
    %add3A_11 = arith.constant 4 : i32
    %add3A_12 = vector.broadcast %add3A_11 : i32 to vector<16xi32>
    %add3A_13 = arith.addi %iota3A_10, %add3A_12 : vector<16xi32>
    %and3A_14 = arith.constant 15 : i32
    %and3A_15 = vector.broadcast %and3A_14 : i32 to vector<16xi32>
    %and3A_16 = arith.andi %add3A_13, %and3A_15 : vector<16xi32>
    %iota3A_17 = tpu.iota {dimensions = array<i32: 0>} : vector<16xi32>
    %add3A_18 = arith.constant 2 : i32
    %add3A_19 = vector.broadcast %add3A_18 : i32 to vector<16xi32>
    %add3A_20 = arith.addi %iota3A_17, %add3A_19 : vector<16xi32>
    %and3A_21 = arith.constant 15 : i32
    %and3A_22 = vector.broadcast %and3A_21 : i32 to vector<16xi32>
    %and3A_23 = arith.andi %add3A_20, %and3A_22 : vector<16xi32>
    %iota3A_24 = tpu.iota {dimensions = array<i32: 0>} : vector<16xi32>
    %add3A_25 = arith.constant 1 : i32
    %add3A_26 = vector.broadcast %add3A_25 : i32 to vector<16xi32>
    %add3A_27 = arith.addi %iota3A_24, %add3A_26 : vector<16xi32>
    %and3A_28 = arith.constant 15 : i32
    %and3A_29 = vector.broadcast %and3A_28 : i32 to vector<16xi32>
    %and3A_30 = arith.andi %add3A_27, %and3A_29 : vector<16xi32>
    %dma_start3A = arith.constant 0 : i32
    %dma_start3A_31 = arith.constant 0 : i32
    %dma_start3A_32 = arith.constant 0 : i32
    %dma_start3A_33 = arith.constant 0 : i32
    %dma_start3A_34 = tpu.memref_slice %arg7[%dma_start3A, %dma_start3A_32, %dma_start3A_33] : memref<2x200x64xf32, #tpu.memory_space<vmem>> -> memref<1x200x64xf32, #tpu.memory_space<vmem>>
    %dma_start3A_35 = tpu.memref_squeeze %dma_start3A_34 : memref<1x200x64xf32, #tpu.memory_space<vmem>> -> memref<200x64xf32, #tpu.memory_space<vmem>>
    %dma_start3A_36 = arith.constant 0 : i32
    %dma_start3A_37 = arith.constant 0 : i32
    %dma_start3A_38 = tpu.memref_slice %dma_start3A_35[%dma_start3A_36, %dma_start3A_37] : memref<200x64xf32, #tpu.memory_space<vmem>> -> memref<104x64xf32, #tpu.memory_space<vmem>>
    %dma_start3A_39 = arith.constant 0 : i32
    %dma_start3A_40 = tpu.memref_slice %arg6[%dma_start3A_39] : memref<25600xi32, #tpu.memory_space<vmem>> -> memref<104xi32, #tpu.memory_space<vmem>>
    %dma_start3A_41 = arith.constant 0 : i32
    %dma_start3A_42 = arith.constant 0 : i32
    %dma_start3A_43 = tpu.memref_slice %arg4[%dma_start3A_41, %dma_start3A_42] : memref<200001x64xf32, #tpu.memory_space<hbm>> -> memref<200001x64xf32, #tpu.memory_space<hbm>>
    %dma_start3A_44 = tpu.memref_slice %arg10[%dma_start3A_31] : memref<2x!tpu.dma_semaphore, #tpu.memory_space<semaphore_mem>> -> memref<1x!tpu.dma_semaphore, #tpu.memory_space<semaphore_mem>>
    %dma_start3A_45 = tpu.memref_squeeze %dma_start3A_44 : memref<1x!tpu.dma_semaphore, #tpu.memory_space<semaphore_mem>> -> memref<!tpu.dma_semaphore, #tpu.memory_space<semaphore_mem>>
    tpu.enqueue_indirect_dma source(%dma_start3A_43 : memref<200001x64xf32, #tpu.memory_space<hbm>>) target(%dma_start3A_38 : memref<104x64xf32, #tpu.memory_space<vmem>>) offsets(%dma_start3A_40 : memref<104xi32, #tpu.memory_space<vmem>>) semaphore(%dma_start3A_45 : memref<!tpu.dma_semaphore, #tpu.memory_space<semaphore_mem>>)
    %dma_start3A_46 = arith.constant 0 : i32
    %dma_start3A_47 = arith.constant 0 : i32
    %dma_start3A_48 = arith.constant 0 : i32
    %dma_start3A_49 = arith.constant 0 : i32
    %dma_start3A_50 = tpu.memref_slice %arg7[%dma_start3A_46, %dma_start3A_48, %dma_start3A_49] : memref<2x200x64xf32, #tpu.memory_space<vmem>> -> memref<1x200x64xf32, #tpu.memory_space<vmem>>
    %dma_start3A_51 = tpu.memref_squeeze %dma_start3A_50 : memref<1x200x64xf32, #tpu.memory_space<vmem>> -> memref<200x64xf32, #tpu.memory_space<vmem>>
    %dma_start3A_52 = arith.constant 104 : i32
    %dma_start3A_53 = arith.constant 0 : i32
    %dma_start3A_54 = tpu.memref_slice %dma_start3A_51[%dma_start3A_52, %dma_start3A_53] : memref<200x64xf32, #tpu.memory_space<vmem>> -> memref<96x64xf32, #tpu.memory_space<vmem>>
    %dma_start3A_55 = arith.constant 104 : i32
    %dma_start3A_56 = tpu.memref_slice %arg6[%dma_start3A_55] : memref<25600xi32, #tpu.memory_space<vmem>> -> memref<96xi32, #tpu.memory_space<vmem>>
    %dma_start3A_57 = arith.constant 0 : i32
    %dma_start3A_58 = arith.constant 0 : i32
    %dma_start3A_59 = tpu.memref_slice %arg4[%dma_start3A_57, %dma_start3A_58] : memref<200001x64xf32, #tpu.memory_space<hbm>> -> memref<200001x64xf32, #tpu.memory_space<hbm>>
    %dma_start3A_60 = tpu.memref_slice %arg10[%dma_start3A_47] : memref<2x!tpu.dma_semaphore, #tpu.memory_space<semaphore_mem>> -> memref<1x!tpu.dma_semaphore, #tpu.memory_space<semaphore_mem>>
    %dma_start3A_61 = tpu.memref_squeeze %dma_start3A_60 : memref<1x!tpu.dma_semaphore, #tpu.memory_space<semaphore_mem>> -> memref<!tpu.dma_semaphore, #tpu.memory_space<semaphore_mem>>
    tpu.enqueue_indirect_dma source(%dma_start3A_59 : memref<200001x64xf32, #tpu.memory_space<hbm>>) target(%dma_start3A_54 : memref<96x64xf32, #tpu.memory_space<vmem>>) offsets(%dma_start3A_56 : memref<96xi32, #tpu.memory_space<vmem>>) semaphore(%dma_start3A_61 : memref<!tpu.dma_semaphore, #tpu.memory_space<semaphore_mem>>)
    %add3A_62 = arith.constant 0 : i32
    %add3A_63 = arith.addi %mul3A_2, %add3A_62 : i32
    %dma_start3A_64 = arith.constant 0 : i32
    %dma_start3A_65 = arith.constant 0 : i32
    %dma_start3A_66 = arith.constant 0 : i32
    %dma_start3A_67 = arith.constant 0 : i32
    %dma_start3A_68 = tpu.memref_slice %arg8[%dma_start3A_64, %dma_start3A_66, %dma_start3A_67] : memref<2x200x64xf32, #tpu.memory_space<vmem>> -> memref<1x200x64xf32, #tpu.memory_space<vmem>>
    %dma_start3A_69 = tpu.memref_squeeze %dma_start3A_68 : memref<1x200x64xf32, #tpu.memory_space<vmem>> -> memref<200x64xf32, #tpu.memory_space<vmem>>
    %dma_start3A_70 = arith.constant 0 : i32
    %dma_start3A_71 = arith.constant 0 : i32
    %dma_start3A_72 = tpu.memref_slice %arg3[%add3A_63, %dma_start3A_70, %dma_start3A_71] : memref<4096x200x64xf32, #tpu.memory_space<hbm>> -> memref<1x200x64xf32, #tpu.memory_space<hbm>>
    %dma_start3A_73 = tpu.memref_squeeze %dma_start3A_72 : memref<1x200x64xf32, #tpu.memory_space<hbm>> -> memref<200x64xf32, #tpu.memory_space<hbm>>
    %dma_start3A_74 = tpu.memref_slice %arg10[%dma_start3A_65] : memref<2x!tpu.dma_semaphore, #tpu.memory_space<semaphore_mem>> -> memref<1x!tpu.dma_semaphore, #tpu.memory_space<semaphore_mem>>
    %dma_start3A_75 = tpu.memref_squeeze %dma_start3A_74 : memref<1x!tpu.dma_semaphore, #tpu.memory_space<semaphore_mem>> -> memref<!tpu.dma_semaphore, #tpu.memory_space<semaphore_mem>>
    %dma_start3A_76 = arith.constant 0 : i32
    %dma_start3A_77 = arith.constant 0 : i32
    %dma_start3A_78 = tpu.memref_slice %arg8[%dma_start3A_64, %dma_start3A_76, %dma_start3A_77] : memref<2x200x64xf32, #tpu.memory_space<vmem>> -> memref<1x200x64xf32, #tpu.memory_space<vmem>>
    %dma_start3A_79 = tpu.memref_squeeze %dma_start3A_78 : memref<1x200x64xf32, #tpu.memory_space<vmem>> -> memref<200x64xf32, #tpu.memory_space<vmem>>
    %dma_start3A_80 = arith.constant 0 : i32
    %dma_start3A_81 = arith.constant 0 : i32
    %dma_start3A_82 = tpu.memref_slice %arg3[%add3A_63, %dma_start3A_80, %dma_start3A_81] : memref<4096x200x64xf32, #tpu.memory_space<hbm>> -> memref<1x200x64xf32, #tpu.memory_space<hbm>>
    %dma_start3A_83 = tpu.memref_squeeze %dma_start3A_82 : memref<1x200x64xf32, #tpu.memory_space<hbm>> -> memref<200x64xf32, #tpu.memory_space<hbm>>
    tpu.enqueue_dma source(%dma_start3A_83 : memref<200x64xf32, #tpu.memory_space<hbm>>) target(%dma_start3A_79 : memref<200x64xf32, #tpu.memory_space<vmem>>) target_semaphore(%dma_start3A_75 : memref<!tpu.dma_semaphore, #tpu.memory_space<semaphore_mem>>)
    %scan3A = arith.constant 0 : i32
    %scan3A_84 = arith.constant 0 : i32
    %scan3A_85 = arith.constant 64 : i32
    %scan3A_86 = arith.addi %scan3A_84, %scan3A_85 : i32
    %scan3A_87 = arith.constant 1 : i32
    %scan3A_88 = scf.for %scan3A_90 = %scan3A_84 to %scan3A_86 step %scan3A_87 iter_args(%scan3A_91 = %scan3A) -> (i32)  : i32 {
      %mul3A_92 = arith.constant 2 : i32
      %mul3A_93 = arith.muli %scan3A_90, %mul3A_92 : i32
      %add3A_94 = arith.constant 0 : i32
      %add3A_95 = arith.addi %mul3A_93, %add3A_94 : i32
      %dma_wait3A = arith.constant 0 : i32
      %dma_wait3A_96 = arith.constant 0 : i32
      %dma_wait3A_97 = arith.constant 0 : i32
      %dma_wait3A_98 = arith.constant 0 : i32
      %dma_wait3A_99 = arith.constant 0 : i32
      %dma_wait3A_100 = tpu.memref_slice %arg7[%dma_wait3A_96, %dma_wait3A_98, %dma_wait3A_99] : memref<2x200x64xf32, #tpu.memory_space<vmem>> -> memref<1x200x64xf32, #tpu.memory_space<vmem>>
      %dma_wait3A_101 = tpu.memref_squeeze %dma_wait3A_100 : memref<1x200x64xf32, #tpu.memory_space<vmem>> -> memref<200x64xf32, #tpu.memory_space<vmem>>
      %dma_wait3A_102 = arith.constant 0 : i32
      %dma_wait3A_103 = arith.constant 0 : i32
      %dma_wait3A_104 = tpu.memref_slice %dma_wait3A_101[%dma_wait3A_102, %dma_wait3A_103] : memref<200x64xf32, #tpu.memory_space<vmem>> -> memref<104x64xf32, #tpu.memory_space<vmem>>
      %dma_wait3A_105 = arith.constant 0 : i32
      %dma_wait3A_106 = arith.constant 0 : i32
      %dma_wait3A_107 = tpu.memref_slice %arg3[%dma_wait3A, %dma_wait3A_105, %dma_wait3A_106] : memref<4096x200x64xf32, #tpu.memory_space<hbm>> -> memref<1x200x64xf32, #tpu.memory_space<hbm>>
      %dma_wait3A_108 = tpu.memref_squeeze %dma_wait3A_107 : memref<1x200x64xf32, #tpu.memory_space<hbm>> -> memref<200x64xf32, #tpu.memory_space<hbm>>
      %dma_wait3A_109 = arith.constant 0 : i32
      %dma_wait3A_110 = arith.constant 0 : i32
      %dma_wait3A_111 = tpu.memref_slice %dma_wait3A_108[%dma_wait3A_109, %dma_wait3A_110] : memref<200x64xf32, #tpu.memory_space<hbm>> -> memref<104x64xf32, #tpu.memory_space<hbm>>
      %dma_wait3A_112 = tpu.memref_slice %arg10[%dma_wait3A_97] : memref<2x!tpu.dma_semaphore, #tpu.memory_space<semaphore_mem>> -> memref<1x!tpu.dma_semaphore, #tpu.memory_space<semaphore_mem>>
      %dma_wait3A_113 = tpu.memref_squeeze %dma_wait3A_112 : memref<1x!tpu.dma_semaphore, #tpu.memory_space<semaphore_mem>> -> memref<!tpu.dma_semaphore, #tpu.memory_space<semaphore_mem>>
      %dma_wait3A_114 = arith.constant 0 : i32
      %dma_wait3A_115 = arith.constant 0 : i32
      %dma_wait3A_116 = tpu.memref_slice %arg7[%dma_wait3A_96, %dma_wait3A_114, %dma_wait3A_115] : memref<2x200x64xf32, #tpu.memory_space<vmem>> -> memref<1x200x64xf32, #tpu.memory_space<vmem>>
      %dma_wait3A_117 = tpu.memref_squeeze %dma_wait3A_116 : memref<1x200x64xf32, #tpu.memory_space<vmem>> -> memref<200x64xf32, #tpu.memory_space<vmem>>
      %dma_wait3A_118 = arith.constant 0 : i32
      %dma_wait3A_119 = arith.constant 0 : i32
      %dma_wait3A_120 = tpu.memref_slice %dma_wait3A_117[%dma_wait3A_118, %dma_wait3A_119] : memref<200x64xf32, #tpu.memory_space<vmem>> -> memref<104x64xf32, #tpu.memory_space<vmem>>
      %dma_wait3A_121 = arith.constant 0 : i32
      %dma_wait3A_122 = arith.constant 0 : i32
      %dma_wait3A_123 = tpu.memref_slice %arg3[%dma_wait3A, %dma_wait3A_121, %dma_wait3A_122] : memref<4096x200x64xf32, #tpu.memory_space<hbm>> -> memref<1x200x64xf32, #tpu.memory_space<hbm>>
      %dma_wait3A_124 = tpu.memref_squeeze %dma_wait3A_123 : memref<1x200x64xf32, #tpu.memory_space<hbm>> -> memref<200x64xf32, #tpu.memory_space<hbm>>
      %dma_wait3A_125 = arith.constant 0 : i32
      %dma_wait3A_126 = arith.constant 0 : i32
      %dma_wait3A_127 = tpu.memref_slice %dma_wait3A_124[%dma_wait3A_125, %dma_wait3A_126] : memref<200x64xf32, #tpu.memory_space<hbm>> -> memref<104x64xf32, #tpu.memory_space<hbm>>
      tpu.wait_dma2 semaphore(%dma_wait3A_113 : memref<!tpu.dma_semaphore, #tpu.memory_space<semaphore_mem>>) src(%dma_wait3A_127 : memref<104x64xf32, #tpu.memory_space<hbm>>) dst(%dma_wait3A_120 : memref<104x64xf32, #tpu.memory_space<vmem>>)
      %dma_wait3A_128 = arith.constant 0 : i32
      %dma_wait3A_129 = arith.constant 0 : i32
      %dma_wait3A_130 = arith.constant 0 : i32
      %dma_wait3A_131 = arith.constant 0 : i32
      %dma_wait3A_132 = arith.constant 0 : i32
      %dma_wait3A_133 = tpu.memref_slice %arg7[%dma_wait3A_129, %dma_wait3A_131, %dma_wait3A_132] : memref<2x200x64xf32, #tpu.memory_space<vmem>> -> memref<1x200x64xf32, #tpu.memory_space<vmem>>
      %dma_wait3A_134 = tpu.memref_squeeze %dma_wait3A_133 : memref<1x200x64xf32, #tpu.memory_space<vmem>> -> memref<200x64xf32, #tpu.memory_space<vmem>>
      %dma_wait3A_135 = arith.constant 104 : i32
      %dma_wait3A_136 = arith.constant 0 : i32
      %dma_wait3A_137 = tpu.memref_slice %dma_wait3A_134[%dma_wait3A_135, %dma_wait3A_136] : memref<200x64xf32, #tpu.memory_space<vmem>> -> memref<96x64xf32, #tpu.memory_space<vmem>>
      %dma_wait3A_138 = arith.constant 0 : i32
      %dma_wait3A_139 = arith.constant 0 : i32
      %dma_wait3A_140 = tpu.memref_slice %arg3[%dma_wait3A_128, %dma_wait3A_138, %dma_wait3A_139] : memref<4096x200x64xf32, #tpu.memory_space<hbm>> -> memref<1x200x64xf32, #tpu.memory_space<hbm>>
      %dma_wait3A_141 = tpu.memref_squeeze %dma_wait3A_140 : memref<1x200x64xf32, #tpu.memory_space<hbm>> -> memref<200x64xf32, #tpu.memory_space<hbm>>
      %dma_wait3A_142 = arith.constant 0 : i32
      %dma_wait3A_143 = arith.constant 0 : i32
      %dma_wait3A_144 = tpu.memref_slice %dma_wait3A_141[%dma_wait3A_142, %dma_wait3A_143] : memref<200x64xf32, #tpu.memory_space<hbm>> -> memref<96x64xf32, #tpu.memory_space<hbm>>
      %dma_wait3A_145 = tpu.memref_slice %arg10[%dma_wait3A_130] : memref<2x!tpu.dma_semaphore, #tpu.memory_space<semaphore_mem>> -> memref<1x!tpu.dma_semaphore, #tpu.memory_space<semaphore_mem>>
      %dma_wait3A_146 = tpu.memref_squeeze %dma_wait3A_145 : memref<1x!tpu.dma_semaphore, #tpu.memory_space<semaphore_mem>> -> memref<!tpu.dma_semaphore, #tpu.memory_space<semaphore_mem>>
      %dma_wait3A_147 = arith.constant 0 : i32
      %dma_wait3A_148 = arith.constant 0 : i32
      %dma_wait3A_149 = tpu.memref_slice %arg7[%dma_wait3A_129, %dma_wait3A_147, %dma_wait3A_148] : memref<2x200x64xf32, #tpu.memory_space<vmem>> -> memref<1x200x64xf32, #tpu.memory_space<vmem>>
      %dma_wait3A_150 = tpu.memref_squeeze %dma_wait3A_149 : memref<1x200x64xf32, #tpu.memory_space<vmem>> -> memref<200x64xf32, #tpu.memory_space<vmem>>
      %dma_wait3A_151 = arith.constant 104 : i32
      %dma_wait3A_152 = arith.constant 0 : i32
      %dma_wait3A_153 = tpu.memref_slice %dma_wait3A_150[%dma_wait3A_151, %dma_wait3A_152] : memref<200x64xf32, #tpu.memory_space<vmem>> -> memref<96x64xf32, #tpu.memory_space<vmem>>
      %dma_wait3A_154 = arith.constant 0 : i32
      %dma_wait3A_155 = arith.constant 0 : i32
      %dma_wait3A_156 = tpu.memref_slice %arg3[%dma_wait3A_128, %dma_wait3A_154, %dma_wait3A_155] : memref<4096x200x64xf32, #tpu.memory_space<hbm>> -> memref<1x200x64xf32, #tpu.memory_space<hbm>>
      %dma_wait3A_157 = tpu.memref_squeeze %dma_wait3A_156 : memref<1x200x64xf32, #tpu.memory_space<hbm>> -> memref<200x64xf32, #tpu.memory_space<hbm>>
      %dma_wait3A_158 = arith.constant 0 : i32
      %dma_wait3A_159 = arith.constant 0 : i32
      %dma_wait3A_160 = tpu.memref_slice %dma_wait3A_157[%dma_wait3A_158, %dma_wait3A_159] : memref<200x64xf32, #tpu.memory_space<hbm>> -> memref<96x64xf32, #tpu.memory_space<hbm>>
      tpu.wait_dma2 semaphore(%dma_wait3A_146 : memref<!tpu.dma_semaphore, #tpu.memory_space<semaphore_mem>>) src(%dma_wait3A_160 : memref<96x64xf32, #tpu.memory_space<hbm>>) dst(%dma_wait3A_153 : memref<96x64xf32, #tpu.memory_space<vmem>>)
      %dma_wait3A_161 = arith.constant 0 : i32
      %dma_wait3A_162 = arith.constant 0 : i32
      %dma_wait3A_163 = arith.constant 0 : i32
      %dma_wait3A_164 = arith.constant 0 : i32
      %dma_wait3A_165 = arith.constant 0 : i32
      %dma_wait3A_166 = tpu.memref_slice %arg8[%dma_wait3A_162, %dma_wait3A_164, %dma_wait3A_165] : memref<2x200x64xf32, #tpu.memory_space<vmem>> -> memref<1x200x64xf32, #tpu.memory_space<vmem>>
      %dma_wait3A_167 = tpu.memref_squeeze %dma_wait3A_166 : memref<1x200x64xf32, #tpu.memory_space<vmem>> -> memref<200x64xf32, #tpu.memory_space<vmem>>
      %dma_wait3A_168 = arith.constant 0 : i32
      %dma_wait3A_169 = arith.constant 0 : i32
      %dma_wait3A_170 = tpu.memref_slice %arg3[%dma_wait3A_161, %dma_wait3A_168, %dma_wait3A_169] : memref<4096x200x64xf32, #tpu.memory_space<hbm>> -> memref<1x200x64xf32, #tpu.memory_space<hbm>>
      %dma_wait3A_171 = tpu.memref_squeeze %dma_wait3A_170 : memref<1x200x64xf32, #tpu.memory_space<hbm>> -> memref<200x64xf32, #tpu.memory_space<hbm>>
      %dma_wait3A_172 = tpu.memref_slice %arg10[%dma_wait3A_163] : memref<2x!tpu.dma_semaphore, #tpu.memory_space<semaphore_mem>> -> memref<1x!tpu.dma_semaphore, #tpu.memory_space<semaphore_mem>>
      %dma_wait3A_173 = tpu.memref_squeeze %dma_wait3A_172 : memref<1x!tpu.dma_semaphore, #tpu.memory_space<semaphore_mem>> -> memref<!tpu.dma_semaphore, #tpu.memory_space<semaphore_mem>>
      %dma_wait3A_174 = arith.constant 0 : i32
      %dma_wait3A_175 = arith.constant 0 : i32
      %dma_wait3A_176 = tpu.memref_slice %arg8[%dma_wait3A_162, %dma_wait3A_174, %dma_wait3A_175] : memref<2x200x64xf32, #tpu.memory_space<vmem>> -> memref<1x200x64xf32, #tpu.memory_space<vmem>>
      %dma_wait3A_177 = tpu.memref_squeeze %dma_wait3A_176 : memref<1x200x64xf32, #tpu.memory_space<vmem>> -> memref<200x64xf32, #tpu.memory_space<vmem>>
      %dma_wait3A_178 = arith.constant 0 : i32
      %dma_wait3A_179 = arith.constant 0 : i32
      %dma_wait3A_180 = tpu.memref_slice %arg3[%dma_wait3A_161, %dma_wait3A_178, %dma_wait3A_179] : memref<4096x200x64xf32, #tpu.memory_space<hbm>> -> memref<1x200x64xf32, #tpu.memory_space<hbm>>
      %dma_wait3A_181 = tpu.memref_squeeze %dma_wait3A_180 : memref<1x200x64xf32, #tpu.memory_space<hbm>> -> memref<200x64xf32, #tpu.memory_space<hbm>>
      tpu.wait_dma2 semaphore(%dma_wait3A_173 : memref<!tpu.dma_semaphore, #tpu.memory_space<semaphore_mem>>) src(%dma_wait3A_181 : memref<200x64xf32, #tpu.memory_space<hbm>>) dst(%dma_wait3A_177 : memref<200x64xf32, #tpu.memory_space<vmem>>)
      %add3A_182 = arith.constant 1 : i32
      %add3A_183 = arith.addi %add3A_95, %add3A_182 : i32
      %lt3A = arith.constant 128 : i32
      %lt3A_184 = arith.cmpi slt, %add3A_183, %lt3A : i32
      %convert_element_type3A = arith.extui %lt3A_184 : i1 to i32
      %cond3A = arith.constant 0 : i32
      %cond3A_185 = arith.cmpi ne, %convert_element_type3A, %cond3A : i32
      scf.if %cond3A_185 {
        %add3A_365 = arith.constant 1 : i32
        %add3A_366 = arith.addi %add3A_95, %add3A_365 : i32
        %mul3A_367 = arith.constant 200 : i32
        %mul3A_368 = arith.muli %add3A_366, %mul3A_367 : i32
        %add3A_369 = arith.constant 0 : i32
        %add3A_370 = arith.addi %mul3A_368, %add3A_369 : i32
        %dma_start3A_371 = arith.constant 1 : i32
        %dma_start3A_372 = arith.constant 1 : i32
        %dma_start3A_373 = arith.constant 0 : i32
        %dma_start3A_374 = arith.constant 0 : i32
        %dma_start3A_375 = tpu.memref_slice %arg7[%dma_start3A_371, %dma_start3A_373, %dma_start3A_374] : memref<2x200x64xf32, #tpu.memory_space<vmem>> -> memref<1x200x64xf32, #tpu.memory_space<vmem>>
        %dma_start3A_376 = tpu.memref_squeeze %dma_start3A_375 : memref<1x200x64xf32, #tpu.memory_space<vmem>> -> memref<200x64xf32, #tpu.memory_space<vmem>>
        %dma_start3A_377 = arith.constant 0 : i32
        %dma_start3A_378 = arith.constant 0 : i32
        %dma_start3A_379 = tpu.memref_slice %dma_start3A_376[%dma_start3A_377, %dma_start3A_378] : memref<200x64xf32, #tpu.memory_space<vmem>> -> memref<104x64xf32, #tpu.memory_space<vmem>>
        %dma_start3A_380 = tpu.memref_slice %arg6[%add3A_370] : memref<25600xi32, #tpu.memory_space<vmem>> -> memref<104xi32, #tpu.memory_space<vmem>>
        %dma_start3A_381 = arith.constant 0 : i32
        %dma_start3A_382 = arith.constant 0 : i32
        %dma_start3A_383 = tpu.memref_slice %arg4[%dma_start3A_381, %dma_start3A_382] : memref<200001x64xf32, #tpu.memory_space<hbm>> -> memref<200001x64xf32, #tpu.memory_space<hbm>>
        %dma_start3A_384 = tpu.memref_slice %arg10[%dma_start3A_372] : memref<2x!tpu.dma_semaphore, #tpu.memory_space<semaphore_mem>> -> memref<1x!tpu.dma_semaphore, #tpu.memory_space<semaphore_mem>>
        %dma_start3A_385 = tpu.memref_squeeze %dma_start3A_384 : memref<1x!tpu.dma_semaphore, #tpu.memory_space<semaphore_mem>> -> memref<!tpu.dma_semaphore, #tpu.memory_space<semaphore_mem>>
        tpu.enqueue_indirect_dma source(%dma_start3A_383 : memref<200001x64xf32, #tpu.memory_space<hbm>>) target(%dma_start3A_379 : memref<104x64xf32, #tpu.memory_space<vmem>>) offsets(%dma_start3A_380 : memref<104xi32, #tpu.memory_space<vmem>>) semaphore(%dma_start3A_385 : memref<!tpu.dma_semaphore, #tpu.memory_space<semaphore_mem>>)
        %mul3A_386 = arith.constant 200 : i32
        %mul3A_387 = arith.muli %add3A_366, %mul3A_386 : i32
        %add3A_388 = arith.constant 104 : i32
        %add3A_389 = arith.addi %mul3A_387, %add3A_388 : i32
        %dma_start3A_390 = arith.constant 1 : i32
        %dma_start3A_391 = arith.constant 1 : i32
        %dma_start3A_392 = arith.constant 0 : i32
        %dma_start3A_393 = arith.constant 0 : i32
        %dma_start3A_394 = tpu.memref_slice %arg7[%dma_start3A_390, %dma_start3A_392, %dma_start3A_393] : memref<2x200x64xf32, #tpu.memory_space<vmem>> -> memref<1x200x64xf32, #tpu.memory_space<vmem>>
        %dma_start3A_395 = tpu.memref_squeeze %dma_start3A_394 : memref<1x200x64xf32, #tpu.memory_space<vmem>> -> memref<200x64xf32, #tpu.memory_space<vmem>>
        %dma_start3A_396 = arith.constant 104 : i32
        %dma_start3A_397 = arith.constant 0 : i32
        %dma_start3A_398 = tpu.memref_slice %dma_start3A_395[%dma_start3A_396, %dma_start3A_397] : memref<200x64xf32, #tpu.memory_space<vmem>> -> memref<96x64xf32, #tpu.memory_space<vmem>>
        %dma_start3A_399 = tpu.memref_slice %arg6[%add3A_389] : memref<25600xi32, #tpu.memory_space<vmem>> -> memref<96xi32, #tpu.memory_space<vmem>>
        %dma_start3A_400 = arith.constant 0 : i32
        %dma_start3A_401 = arith.constant 0 : i32
        %dma_start3A_402 = tpu.memref_slice %arg4[%dma_start3A_400, %dma_start3A_401] : memref<200001x64xf32, #tpu.memory_space<hbm>> -> memref<200001x64xf32, #tpu.memory_space<hbm>>
        %dma_start3A_403 = tpu.memref_slice %arg10[%dma_start3A_391] : memref<2x!tpu.dma_semaphore, #tpu.memory_space<semaphore_mem>> -> memref<1x!tpu.dma_semaphore, #tpu.memory_space<semaphore_mem>>
        %dma_start3A_404 = tpu.memref_squeeze %dma_start3A_403 : memref<1x!tpu.dma_semaphore, #tpu.memory_space<semaphore_mem>> -> memref<!tpu.dma_semaphore, #tpu.memory_space<semaphore_mem>>
        tpu.enqueue_indirect_dma source(%dma_start3A_402 : memref<200001x64xf32, #tpu.memory_space<hbm>>) target(%dma_start3A_398 : memref<96x64xf32, #tpu.memory_space<vmem>>) offsets(%dma_start3A_399 : memref<96xi32, #tpu.memory_space<vmem>>) semaphore(%dma_start3A_404 : memref<!tpu.dma_semaphore, #tpu.memory_space<semaphore_mem>>)
        %add3A_405 = arith.addi %mul3A_2, %add3A_366 : i32
        %dma_start3A_406 = arith.constant 1 : i32
        %dma_start3A_407 = arith.constant 1 : i32
        %dma_start3A_408 = arith.constant 0 : i32
        %dma_start3A_409 = arith.constant 0 : i32
        %dma_start3A_410 = tpu.memref_slice %arg8[%dma_start3A_406, %dma_start3A_408, %dma_start3A_409] : memref<2x200x64xf32, #tpu.memory_space<vmem>> -> memref<1x200x64xf32, #tpu.memory_space<vmem>>
        %dma_start3A_411 = tpu.memref_squeeze %dma_start3A_410 : memref<1x200x64xf32, #tpu.memory_space<vmem>> -> memref<200x64xf32, #tpu.memory_space<vmem>>
        %dma_start3A_412 = arith.constant 0 : i32
        %dma_start3A_413 = arith.constant 0 : i32
        %dma_start3A_414 = tpu.memref_slice %arg3[%add3A_405, %dma_start3A_412, %dma_start3A_413] : memref<4096x200x64xf32, #tpu.memory_space<hbm>> -> memref<1x200x64xf32, #tpu.memory_space<hbm>>
        %dma_start3A_415 = tpu.memref_squeeze %dma_start3A_414 : memref<1x200x64xf32, #tpu.memory_space<hbm>> -> memref<200x64xf32, #tpu.memory_space<hbm>>
        %dma_start3A_416 = tpu.memref_slice %arg10[%dma_start3A_407] : memref<2x!tpu.dma_semaphore, #tpu.memory_space<semaphore_mem>> -> memref<1x!tpu.dma_semaphore, #tpu.memory_space<semaphore_mem>>
        %dma_start3A_417 = tpu.memref_squeeze %dma_start3A_416 : memref<1x!tpu.dma_semaphore, #tpu.memory_space<semaphore_mem>> -> memref<!tpu.dma_semaphore, #tpu.memory_space<semaphore_mem>>
        %dma_start3A_418 = arith.constant 0 : i32
        %dma_start3A_419 = arith.constant 0 : i32
        %dma_start3A_420 = tpu.memref_slice %arg8[%dma_start3A_406, %dma_start3A_418, %dma_start3A_419] : memref<2x200x64xf32, #tpu.memory_space<vmem>> -> memref<1x200x64xf32, #tpu.memory_space<vmem>>
        %dma_start3A_421 = tpu.memref_squeeze %dma_start3A_420 : memref<1x200x64xf32, #tpu.memory_space<vmem>> -> memref<200x64xf32, #tpu.memory_space<vmem>>
        %dma_start3A_422 = arith.constant 0 : i32
        %dma_start3A_423 = arith.constant 0 : i32
        %dma_start3A_424 = tpu.memref_slice %arg3[%add3A_405, %dma_start3A_422, %dma_start3A_423] : memref<4096x200x64xf32, #tpu.memory_space<hbm>> -> memref<1x200x64xf32, #tpu.memory_space<hbm>>
        %dma_start3A_425 = tpu.memref_squeeze %dma_start3A_424 : memref<1x200x64xf32, #tpu.memory_space<hbm>> -> memref<200x64xf32, #tpu.memory_space<hbm>>
        tpu.enqueue_dma source(%dma_start3A_425 : memref<200x64xf32, #tpu.memory_space<hbm>>) target(%dma_start3A_421 : memref<200x64xf32, #tpu.memory_space<vmem>>) target_semaphore(%dma_start3A_417 : memref<!tpu.dma_semaphore, #tpu.memory_space<semaphore_mem>>)
      } else {
      }
      %add3A_186 = arith.addi %mul3A_2, %add3A_95 : i32
      %broadcast_in_dim3A = arith.constant 0.000000e+00 : f32
      %broadcast_in_dim3A_187 = vector.broadcast %broadcast_in_dim3A : f32 to vector<16xf32>
      %scan3A_188 = arith.constant 0 : i32
      %scan3A_189 = arith.constant 0 : i32
      %scan3A_190 = arith.constant 0 : i32
      %scan3A_191 = arith.constant 100 : i32
      %scan3A_192 = arith.addi %scan3A_190, %scan3A_191 : i32
      %scan3A_193 = arith.constant 1 : i32
      %scan3A_194:4 = scf.for %scan3A_365 = %scan3A_190 to %scan3A_192 step %scan3A_193 iter_args(%scan3A_366 = %broadcast_in_dim3A_187, %scan3A_367 = %broadcast_in_dim3A_187, %scan3A_368 = %broadcast_in_dim3A_187, %scan3A_369 = %broadcast_in_dim3A_187) -> (vector<16xf32>, vector<16xf32>, vector<16xf32>, vector<16xf32>)  : i32 {
        %mul3A_370 = arith.constant 2 : i32
        %mul3A_371 = arith.muli %scan3A_365, %mul3A_370 : i32
        %add3A_372 = arith.constant 0 : i32
        %add3A_373 = arith.addi %mul3A_371, %add3A_372 : i32
        %get3A = arith.constant 0 : i32
        %get3A_374 = arith.constant 0 : i32
        %get3A_375 = tpu.memref_slice %arg7[%scan3A_188, %get3A, %get3A_374] : memref<2x200x64xf32, #tpu.memory_space<vmem>> -> memref<1x200x64xf32, #tpu.memory_space<vmem>>
        %get3A_376 = tpu.memref_squeeze %get3A_375 : memref<1x200x64xf32, #tpu.memory_space<vmem>> -> memref<200x64xf32, #tpu.memory_space<vmem>>
        %get3A_377 = arith.index_cast %add3A_373 : i32 to index
        %get3A_378 = arith.constant 0 : index
        %get3A_379 = tpu.vector_load %get3A_376[%get3A_377, %get3A_378] {strides = array<i32>} : memref<200x64xf32, #tpu.memory_space<vmem>>, vector<1x16xf32>,
        %get3A_380 = vector.shape_cast %get3A_379 : vector<1x16xf32> to vector<16xf32>
        %get3A_381 = arith.constant 0 : i32
        %get3A_382 = arith.constant 0 : i32
        %get3A_383 = tpu.memref_slice %arg7[%scan3A_188, %get3A_381, %get3A_382] : memref<2x200x64xf32, #tpu.memory_space<vmem>> -> memref<1x200x64xf32, #tpu.memory_space<vmem>>
        %get3A_384 = tpu.memref_squeeze %get3A_383 : memref<1x200x64xf32, #tpu.memory_space<vmem>> -> memref<200x64xf32, #tpu.memory_space<vmem>>
        %get3A_385 = arith.index_cast %add3A_373 : i32 to index
        %get3A_386 = arith.constant 16 : index
        %get3A_387 = tpu.vector_load %get3A_384[%get3A_385, %get3A_386] {strides = array<i32>} : memref<200x64xf32, #tpu.memory_space<vmem>>, vector<1x16xf32>,
        %get3A_388 = vector.shape_cast %get3A_387 : vector<1x16xf32> to vector<16xf32>
        %get3A_389 = arith.constant 0 : i32
        %get3A_390 = arith.constant 0 : i32
        %get3A_391 = tpu.memref_slice %arg7[%scan3A_188, %get3A_389, %get3A_390] : memref<2x200x64xf32, #tpu.memory_space<vmem>> -> memref<1x200x64xf32, #tpu.memory_space<vmem>>
        %get3A_392 = tpu.memref_squeeze %get3A_391 : memref<1x200x64xf32, #tpu.memory_space<vmem>> -> memref<200x64xf32, #tpu.memory_space<vmem>>
        %get3A_393 = arith.index_cast %add3A_373 : i32 to index
        %get3A_394 = arith.constant 32 : index
        %get3A_395 = tpu.vector_load %get3A_392[%get3A_393, %get3A_394] {strides = array<i32>} : memref<200x64xf32, #tpu.memory_space<vmem>>, vector<1x16xf32>,
        %get3A_396 = vector.shape_cast %get3A_395 : vector<1x16xf32> to vector<16xf32>
        %get3A_397 = arith.constant 0 : i32
        %get3A_398 = arith.constant 0 : i32
        %get3A_399 = tpu.memref_slice %arg7[%scan3A_188, %get3A_397, %get3A_398] : memref<2x200x64xf32, #tpu.memory_space<vmem>> -> memref<1x200x64xf32, #tpu.memory_space<vmem>>
        %get3A_400 = tpu.memref_squeeze %get3A_399 : memref<1x200x64xf32, #tpu.memory_space<vmem>> -> memref<200x64xf32, #tpu.memory_space<vmem>>
        %get3A_401 = arith.index_cast %add3A_373 : i32 to index
        %get3A_402 = arith.constant 48 : index
        %get3A_403 = tpu.vector_load %get3A_400[%get3A_401, %get3A_402] {strides = array<i32>} : memref<200x64xf32, #tpu.memory_space<vmem>>, vector<1x16xf32>,
        %get3A_404 = vector.shape_cast %get3A_403 : vector<1x16xf32> to vector<16xf32>
        %get3A_405 = arith.constant 0 : i32
        %get3A_406 = arith.constant 0 : i32
        %get3A_407 = tpu.memref_slice %arg8[%scan3A_189, %get3A_405, %get3A_406] : memref<2x200x64xf32, #tpu.memory_space<vmem>> -> memref<1x200x64xf32, #tpu.memory_space<vmem>>
        %get3A_408 = tpu.memref_squeeze %get3A_407 : memref<1x200x64xf32, #tpu.memory_space<vmem>> -> memref<200x64xf32, #tpu.memory_space<vmem>>
        %get3A_409 = arith.index_cast %add3A_373 : i32 to index
        %get3A_410 = arith.constant 0 : index
        %get3A_411 = tpu.vector_load %get3A_408[%get3A_409, %get3A_410] {strides = array<i32>} : memref<200x64xf32, #tpu.memory_space<vmem>>, vector<1x16xf32>,
        %get3A_412 = vector.shape_cast %get3A_411 : vector<1x16xf32> to vector<16xf32>
        %get3A_413 = arith.constant 0 : i32
        %get3A_414 = arith.constant 0 : i32
        %get3A_415 = tpu.memref_slice %arg8[%scan3A_189, %get3A_413, %get3A_414] : memref<2x200x64xf32, #tpu.memory_space<vmem>> -> memref<1x200x64xf32, #tpu.memory_space<vmem>>
        %get3A_416 = tpu.memref_squeeze %get3A_415 : memref<1x200x64xf32, #tpu.memory_space<vmem>> -> memref<200x64xf32, #tpu.memory_space<vmem>>
        %get3A_417 = arith.index_cast %add3A_373 : i32 to index
        %get3A_418 = arith.constant 16 : index
        %get3A_419 = tpu.vector_load %get3A_416[%get3A_417, %get3A_418] {strides = array<i32>} : memref<200x64xf32, #tpu.memory_space<vmem>>, vector<1x16xf32>,
        %get3A_420 = vector.shape_cast %get3A_419 : vector<1x16xf32> to vector<16xf32>
        %get3A_421 = arith.constant 0 : i32
        %get3A_422 = arith.constant 0 : i32
        %get3A_423 = tpu.memref_slice %arg8[%scan3A_189, %get3A_421, %get3A_422] : memref<2x200x64xf32, #tpu.memory_space<vmem>> -> memref<1x200x64xf32, #tpu.memory_space<vmem>>
        %get3A_424 = tpu.memref_squeeze %get3A_423 : memref<1x200x64xf32, #tpu.memory_space<vmem>> -> memref<200x64xf32, #tpu.memory_space<vmem>>
        %get3A_425 = arith.index_cast %add3A_373 : i32 to index
        %get3A_426 = arith.constant 32 : index
        %get3A_427 = tpu.vector_load %get3A_424[%get3A_425, %get3A_426] {strides = array<i32>} : memref<200x64xf32, #tpu.memory_space<vmem>>, vector<1x16xf32>,
        %get3A_428 = vector.shape_cast %get3A_427 : vector<1x16xf32> to vector<16xf32>
        %get3A_429 = arith.constant 0 : i32
        %get3A_430 = arith.constant 0 : i32
        %get3A_431 = tpu.memref_slice %arg8[%scan3A_189, %get3A_429, %get3A_430] : memref<2x200x64xf32, #tpu.memory_space<vmem>> -> memref<1x200x64xf32, #tpu.memory_space<vmem>>
        %get3A_432 = tpu.memref_squeeze %get3A_431 : memref<1x200x64xf32, #tpu.memory_space<vmem>> -> memref<200x64xf32, #tpu.memory_space<vmem>>
        %get3A_433 = arith.index_cast %add3A_373 : i32 to index
        %get3A_434 = arith.constant 48 : index
        %get3A_435 = tpu.vector_load %get3A_432[%get3A_433, %get3A_434] {strides = array<i32>} : memref<200x64xf32, #tpu.memory_space<vmem>>, vector<1x16xf32>,
        %get3A_436 = vector.shape_cast %get3A_435 : vector<1x16xf32> to vector<16xf32>
        %mul3A_437 = arith.mulf %get3A_380, %get3A_380 : vector<16xf32>
        %mul3A_438 = arith.mulf %get3A_388, %get3A_388 : vector<16xf32>
        %add3A_439 = arith.addf %mul3A_437, %mul3A_438 : vector<16xf32>
        %mul3A_440 = arith.mulf %get3A_396, %get3A_396 : vector<16xf32>
        %add3A_441 = arith.addf %add3A_439, %mul3A_440 : vector<16xf32>
        %mul3A_442 = arith.mulf %get3A_404, %get3A_404 : vector<16xf32>
        %add3A_443 = arith.addf %add3A_441, %mul3A_442 : vector<16xf32>
        %broadcast_in_dim3A_444 = vector.shape_cast %and3A_9 : vector<16xi32> to vector<16x1xi32>
        %gather3A = vector.shape_cast %broadcast_in_dim3A_444 : vector<16x1xi32> to vector<16xi32>
        %gather3A_445 = tpu.dynamic_gather %add3A_443[%gather3A] in [0] : vector<16xf32>, vector<16xi32> -> vector<16xf32>
        %add3A_446 = arith.addf %add3A_443, %gather3A_445 : vector<16xf32>
        %broadcast_in_dim3A_447 = vector.shape_cast %and3A_16 : vector<16xi32> to vector<16x1xi32>
        %gather3A_448 = vector.shape_cast %broadcast_in_dim3A_447 : vector<16x1xi32> to vector<16xi32>
        %gather3A_449 = tpu.dynamic_gather %add3A_446[%gather3A_448] in [0] : vector<16xf32>, vector<16xi32> -> vector<16xf32>
        %add3A_450 = arith.addf %add3A_446, %gather3A_449 : vector<16xf32>
        %broadcast_in_dim3A_451 = vector.shape_cast %and3A_23 : vector<16xi32> to vector<16x1xi32>
        %gather3A_452 = vector.shape_cast %broadcast_in_dim3A_451 : vector<16x1xi32> to vector<16xi32>
        %gather3A_453 = tpu.dynamic_gather %add3A_450[%gather3A_452] in [0] : vector<16xf32>, vector<16xi32> -> vector<16xf32>
        %add3A_454 = arith.addf %add3A_450, %gather3A_453 : vector<16xf32>
        %broadcast_in_dim3A_455 = vector.shape_cast %and3A_30 : vector<16xi32> to vector<16x1xi32>
        %gather3A_456 = vector.shape_cast %broadcast_in_dim3A_455 : vector<16x1xi32> to vector<16xi32>
        %gather3A_457 = tpu.dynamic_gather %add3A_454[%gather3A_456] in [0] : vector<16xf32>, vector<16xi32> -> vector<16xf32>
        %add3A_458 = arith.addf %add3A_454, %gather3A_457 : vector<16xf32>
        %mul3A_459 = arith.mulf %get3A_412, %get3A_380 : vector<16xf32>
        %mul3A_460 = arith.mulf %get3A_420, %get3A_388 : vector<16xf32>
        %add3A_461 = arith.addf %mul3A_459, %mul3A_460 : vector<16xf32>
        %mul3A_462 = arith.mulf %get3A_428, %get3A_396 : vector<16xf32>
        %add3A_463 = arith.addf %add3A_461, %mul3A_462 : vector<16xf32>
        %mul3A_464 = arith.mulf %get3A_436, %get3A_404 : vector<16xf32>
        %add3A_465 = arith.addf %add3A_463, %mul3A_464 : vector<16xf32>
        %broadcast_in_dim3A_466 = vector.shape_cast %and3A_9 : vector<16xi32> to vector<16x1xi32>
        %gather3A_467 = vector.shape_cast %broadcast_in_dim3A_466 : vector<16x1xi32> to vector<16xi32>
        %gather3A_468 = tpu.dynamic_gather %add3A_465[%gather3A_467] in [0] : vector<16xf32>, vector<16xi32> -> vector<16xf32>
        %add3A_469 = arith.addf %add3A_465, %gather3A_468 : vector<16xf32>
        %broadcast_in_dim3A_470 = vector.shape_cast %and3A_16 : vector<16xi32> to vector<16x1xi32>
        %gather3A_471 = vector.shape_cast %broadcast_in_dim3A_470 : vector<16x1xi32> to vector<16xi32>
        %gather3A_472 = tpu.dynamic_gather %add3A_469[%gather3A_471] in [0] : vector<16xf32>, vector<16xi32> -> vector<16xf32>
        %add3A_473 = arith.addf %add3A_469, %gather3A_472 : vector<16xf32>
        %broadcast_in_dim3A_474 = vector.shape_cast %and3A_23 : vector<16xi32> to vector<16x1xi32>
        %gather3A_475 = vector.shape_cast %broadcast_in_dim3A_474 : vector<16x1xi32> to vector<16xi32>
        %gather3A_476 = tpu.dynamic_gather %add3A_473[%gather3A_475] in [0] : vector<16xf32>, vector<16xi32> -> vector<16xf32>
        %add3A_477 = arith.addf %add3A_473, %gather3A_476 : vector<16xf32>
        %broadcast_in_dim3A_478 = vector.shape_cast %and3A_30 : vector<16xi32> to vector<16x1xi32>
        %gather3A_479 = vector.shape_cast %broadcast_in_dim3A_478 : vector<16x1xi32> to vector<16xi32>
        %gather3A_480 = tpu.dynamic_gather %add3A_477[%gather3A_479] in [0] : vector<16xf32>, vector<16xi32> -> vector<16xf32>
        %add3A_481 = arith.addf %add3A_477, %gather3A_480 : vector<16xf32>
        %max3A = arith.constant 1.000000e-24 : f32
        %max3A_482 = vector.broadcast %max3A : f32 to vector<16xf32>
        %max3A_483 = arith.maximumf %add3A_458, %max3A_482 : vector<16xf32>
        %div3A = arith.divf %add3A_481, %max3A_483 : vector<16xf32>
        %mul3A_484 = arith.mulf %div3A, %get3A_380 : vector<16xf32>
        %sub3A = arith.subf %get3A_412, %mul3A_484 : vector<16xf32>
        %add3A_485 = arith.addf %scan3A_366, %sub3A : vector<16xf32>
        %mul3A_486 = arith.mulf %div3A, %get3A_388 : vector<16xf32>
        %sub3A_487 = arith.subf %get3A_420, %mul3A_486 : vector<16xf32>
        %add3A_488 = arith.addf %scan3A_367, %sub3A_487 : vector<16xf32>
        %mul3A_489 = arith.mulf %div3A, %get3A_396 : vector<16xf32>
        %sub3A_490 = arith.subf %get3A_428, %mul3A_489 : vector<16xf32>
        %add3A_491 = arith.addf %scan3A_368, %sub3A_490 : vector<16xf32>
        %mul3A_492 = arith.mulf %div3A, %get3A_404 : vector<16xf32>
        %sub3A_493 = arith.subf %get3A_436, %mul3A_492 : vector<16xf32>
        %add3A_494 = arith.addf %scan3A_369, %sub3A_493 : vector<16xf32>
        %mul3A_495 = arith.constant 2 : i32
        %mul3A_496 = arith.muli %scan3A_365, %mul3A_495 : i32
        %add3A_497 = arith.constant 1 : i32
        %add3A_498 = arith.addi %mul3A_496, %add3A_497 : i32
        %get3A_499 = arith.constant 0 : i32
        %get3A_500 = arith.constant 0 : i32
        %get3A_501 = tpu.memref_slice %arg7[%scan3A_188, %get3A_499, %get3A_500] : memref<2x200x64xf32, #tpu.memory_space<vmem>> -> memref<1x200x64xf32, #tpu.memory_space<vmem>>
        %get3A_502 = tpu.memref_squeeze %get3A_501 : memref<1x200x64xf32, #tpu.memory_space<vmem>> -> memref<200x64xf32, #tpu.memory_space<vmem>>
        %get3A_503 = arith.index_cast %add3A_498 : i32 to index
        %get3A_504 = arith.constant 0 : index
        %get3A_505 = tpu.vector_load %get3A_502[%get3A_503, %get3A_504] {strides = array<i32>} : memref<200x64xf32, #tpu.memory_space<vmem>>, vector<1x16xf32>,
        %get3A_506 = vector.shape_cast %get3A_505 : vector<1x16xf32> to vector<16xf32>
        %get3A_507 = arith.constant 0 : i32
        %get3A_508 = arith.constant 0 : i32
        %get3A_509 = tpu.memref_slice %arg7[%scan3A_188, %get3A_507, %get3A_508] : memref<2x200x64xf32, #tpu.memory_space<vmem>> -> memref<1x200x64xf32, #tpu.memory_space<vmem>>
        %get3A_510 = tpu.memref_squeeze %get3A_509 : memref<1x200x64xf32, #tpu.memory_space<vmem>> -> memref<200x64xf32, #tpu.memory_space<vmem>>
        %get3A_511 = arith.index_cast %add3A_498 : i32 to index
        %get3A_512 = arith.constant 16 : index
        %get3A_513 = tpu.vector_load %get3A_510[%get3A_511, %get3A_512] {strides = array<i32>} : memref<200x64xf32, #tpu.memory_space<vmem>>, vector<1x16xf32>,
        %get3A_514 = vector.shape_cast %get3A_513 : vector<1x16xf32> to vector<16xf32>
        %get3A_515 = arith.constant 0 : i32
        %get3A_516 = arith.constant 0 : i32
        %get3A_517 = tpu.memref_slice %arg7[%scan3A_188, %get3A_515, %get3A_516] : memref<2x200x64xf32, #tpu.memory_space<vmem>> -> memref<1x200x64xf32, #tpu.memory_space<vmem>>
        %get3A_518 = tpu.memref_squeeze %get3A_517 : memref<1x200x64xf32, #tpu.memory_space<vmem>> -> memref<200x64xf32, #tpu.memory_space<vmem>>
        %get3A_519 = arith.index_cast %add3A_498 : i32 to index
        %get3A_520 = arith.constant 32 : index
        %get3A_521 = tpu.vector_load %get3A_518[%get3A_519, %get3A_520] {strides = array<i32>} : memref<200x64xf32, #tpu.memory_space<vmem>>, vector<1x16xf32>,
        %get3A_522 = vector.shape_cast %get3A_521 : vector<1x16xf32> to vector<16xf32>
        %get3A_523 = arith.constant 0 : i32
        %get3A_524 = arith.constant 0 : i32
        %get3A_525 = tpu.memref_slice %arg7[%scan3A_188, %get3A_523, %get3A_524] : memref<2x200x64xf32, #tpu.memory_space<vmem>> -> memref<1x200x64xf32, #tpu.memory_space<vmem>>
        %get3A_526 = tpu.memref_squeeze %get3A_525 : memref<1x200x64xf32, #tpu.memory_space<vmem>> -> memref<200x64xf32, #tpu.memory_space<vmem>>
        %get3A_527 = arith.index_cast %add3A_498 : i32 to index
        %get3A_528 = arith.constant 48 : index
        %get3A_529 = tpu.vector_load %get3A_526[%get3A_527, %get3A_528] {strides = array<i32>} : memref<200x64xf32, #tpu.memory_space<vmem>>, vector<1x16xf32>,
        %get3A_530 = vector.shape_cast %get3A_529 : vector<1x16xf32> to vector<16xf32>
        %get3A_531 = arith.constant 0 : i32
        %get3A_532 = arith.constant 0 : i32
        %get3A_533 = tpu.memref_slice %arg8[%scan3A_189, %get3A_531, %get3A_532] : memref<2x200x64xf32, #tpu.memory_space<vmem>> -> memref<1x200x64xf32, #tpu.memory_space<vmem>>
        %get3A_534 = tpu.memref_squeeze %get3A_533 : memref<1x200x64xf32, #tpu.memory_space<vmem>> -> memref<200x64xf32, #tpu.memory_space<vmem>>
        %get3A_535 = arith.index_cast %add3A_498 : i32 to index
        %get3A_536 = arith.constant 0 : index
        %get3A_537 = tpu.vector_load %get3A_534[%get3A_535, %get3A_536] {strides = array<i32>} : memref<200x64xf32, #tpu.memory_space<vmem>>, vector<1x16xf32>,
        %get3A_538 = vector.shape_cast %get3A_537 : vector<1x16xf32> to vector<16xf32>
        %get3A_539 = arith.constant 0 : i32
        %get3A_540 = arith.constant 0 : i32
        %get3A_541 = tpu.memref_slice %arg8[%scan3A_189, %get3A_539, %get3A_540] : memref<2x200x64xf32, #tpu.memory_space<vmem>> -> memref<1x200x64xf32, #tpu.memory_space<vmem>>
        %get3A_542 = tpu.memref_squeeze %get3A_541 : memref<1x200x64xf32, #tpu.memory_space<vmem>> -> memref<200x64xf32, #tpu.memory_space<vmem>>
        %get3A_543 = arith.index_cast %add3A_498 : i32 to index
        %get3A_544 = arith.constant 16 : index
        %get3A_545 = tpu.vector_load %get3A_542[%get3A_543, %get3A_544] {strides = array<i32>} : memref<200x64xf32, #tpu.memory_space<vmem>>, vector<1x16xf32>,
        %get3A_546 = vector.shape_cast %get3A_545 : vector<1x16xf32> to vector<16xf32>
        %get3A_547 = arith.constant 0 : i32
        %get3A_548 = arith.constant 0 : i32
        %get3A_549 = tpu.memref_slice %arg8[%scan3A_189, %get3A_547, %get3A_548] : memref<2x200x64xf32, #tpu.memory_space<vmem>> -> memref<1x200x64xf32, #tpu.memory_space<vmem>>
        %get3A_550 = tpu.memref_squeeze %get3A_549 : memref<1x200x64xf32, #tpu.memory_space<vmem>> -> memref<200x64xf32, #tpu.memory_space<vmem>>
        %get3A_551 = arith.index_cast %add3A_498 : i32 to index
        %get3A_552 = arith.constant 32 : index
        %get3A_553 = tpu.vector_load %get3A_550[%get3A_551, %get3A_552] {strides = array<i32>} : memref<200x64xf32, #tpu.memory_space<vmem>>, vector<1x16xf32>,
        %get3A_554 = vector.shape_cast %get3A_553 : vector<1x16xf32> to vector<16xf32>
        %get3A_555 = arith.constant 0 : i32
        %get3A_556 = arith.constant 0 : i32
        %get3A_557 = tpu.memref_slice %arg8[%scan3A_189, %get3A_555, %get3A_556] : memref<2x200x64xf32, #tpu.memory_space<vmem>> -> memref<1x200x64xf32, #tpu.memory_space<vmem>>
        %get3A_558 = tpu.memref_squeeze %get3A_557 : memref<1x200x64xf32, #tpu.memory_space<vmem>> -> memref<200x64xf32, #tpu.memory_space<vmem>>
        %get3A_559 = arith.index_cast %add3A_498 : i32 to index
        %get3A_560 = arith.constant 48 : index
        %get3A_561 = tpu.vector_load %get3A_558[%get3A_559, %get3A_560] {strides = array<i32>} : memref<200x64xf32, #tpu.memory_space<vmem>>, vector<1x16xf32>,
        %get3A_562 = vector.shape_cast %get3A_561 : vector<1x16xf32> to vector<16xf32>
        %mul3A_563 = arith.mulf %get3A_506, %get3A_506 : vector<16xf32>
        %mul3A_564 = arith.mulf %get3A_514, %get3A_514 : vector<16xf32>
        %add3A_565 = arith.addf %mul3A_563, %mul3A_564 : vector<16xf32>
        %mul3A_566 = arith.mulf %get3A_522, %get3A_522 : vector<16xf32>
        %add3A_567 = arith.addf %add3A_565, %mul3A_566 : vector<16xf32>
        %mul3A_568 = arith.mulf %get3A_530, %get3A_530 : vector<16xf32>
        %add3A_569 = arith.addf %add3A_567, %mul3A_568 : vector<16xf32>
        %broadcast_in_dim3A_570 = vector.shape_cast %and3A_9 : vector<16xi32> to vector<16x1xi32>
        %gather3A_571 = vector.shape_cast %broadcast_in_dim3A_570 : vector<16x1xi32> to vector<16xi32>
        %gather3A_572 = tpu.dynamic_gather %add3A_569[%gather3A_571] in [0] : vector<16xf32>, vector<16xi32> -> vector<16xf32>
        %add3A_573 = arith.addf %add3A_569, %gather3A_572 : vector<16xf32>
        %broadcast_in_dim3A_574 = vector.shape_cast %and3A_16 : vector<16xi32> to vector<16x1xi32>
        %gather3A_575 = vector.shape_cast %broadcast_in_dim3A_574 : vector<16x1xi32> to vector<16xi32>
        %gather3A_576 = tpu.dynamic_gather %add3A_573[%gather3A_575] in [0] : vector<16xf32>, vector<16xi32> -> vector<16xf32>
        %add3A_577 = arith.addf %add3A_573, %gather3A_576 : vector<16xf32>
        %broadcast_in_dim3A_578 = vector.shape_cast %and3A_23 : vector<16xi32> to vector<16x1xi32>
        %gather3A_579 = vector.shape_cast %broadcast_in_dim3A_578 : vector<16x1xi32> to vector<16xi32>
        %gather3A_580 = tpu.dynamic_gather %add3A_577[%gather3A_579] in [0] : vector<16xf32>, vector<16xi32> -> vector<16xf32>
        %add3A_581 = arith.addf %add3A_577, %gather3A_580 : vector<16xf32>
        %broadcast_in_dim3A_582 = vector.shape_cast %and3A_30 : vector<16xi32> to vector<16x1xi32>
        %gather3A_583 = vector.shape_cast %broadcast_in_dim3A_582 : vector<16x1xi32> to vector<16xi32>
        %gather3A_584 = tpu.dynamic_gather %add3A_581[%gather3A_583] in [0] : vector<16xf32>, vector<16xi32> -> vector<16xf32>
        %add3A_585 = arith.addf %add3A_581, %gather3A_584 : vector<16xf32>
        %mul3A_586 = arith.mulf %get3A_538, %get3A_506 : vector<16xf32>
        %mul3A_587 = arith.mulf %get3A_546, %get3A_514 : vector<16xf32>
        %add3A_588 = arith.addf %mul3A_586, %mul3A_587 : vector<16xf32>
        %mul3A_589 = arith.mulf %get3A_554, %get3A_522 : vector<16xf32>
        %add3A_590 = arith.addf %add3A_588, %mul3A_589 : vector<16xf32>
        %mul3A_591 = arith.mulf %get3A_562, %get3A_530 : vector<16xf32>
        %add3A_592 = arith.addf %add3A_590, %mul3A_591 : vector<16xf32>
        %broadcast_in_dim3A_593 = vector.shape_cast %and3A_9 : vector<16xi32> to vector<16x1xi32>
        %gather3A_594 = vector.shape_cast %broadcast_in_dim3A_593 : vector<16x1xi32> to vector<16xi32>
        %gather3A_595 = tpu.dynamic_gather %add3A_592[%gather3A_594] in [0] : vector<16xf32>, vector<16xi32> -> vector<16xf32>
        %add3A_596 = arith.addf %add3A_592, %gather3A_595 : vector<16xf32>
        %broadcast_in_dim3A_597 = vector.shape_cast %and3A_16 : vector<16xi32> to vector<16x1xi32>
        %gather3A_598 = vector.shape_cast %broadcast_in_dim3A_597 : vector<16x1xi32> to vector<16xi32>
        %gather3A_599 = tpu.dynamic_gather %add3A_596[%gather3A_598] in [0] : vector<16xf32>, vector<16xi32> -> vector<16xf32>
        %add3A_600 = arith.addf %add3A_596, %gather3A_599 : vector<16xf32>
        %broadcast_in_dim3A_601 = vector.shape_cast %and3A_23 : vector<16xi32> to vector<16x1xi32>
        %gather3A_602 = vector.shape_cast %broadcast_in_dim3A_601 : vector<16x1xi32> to vector<16xi32>
        %gather3A_603 = tpu.dynamic_gather %add3A_600[%gather3A_602] in [0] : vector<16xf32>, vector<16xi32> -> vector<16xf32>
        %add3A_604 = arith.addf %add3A_600, %gather3A_603 : vector<16xf32>
        %broadcast_in_dim3A_605 = vector.shape_cast %and3A_30 : vector<16xi32> to vector<16x1xi32>
        %gather3A_606 = vector.shape_cast %broadcast_in_dim3A_605 : vector<16x1xi32> to vector<16xi32>
        %gather3A_607 = tpu.dynamic_gather %add3A_604[%gather3A_606] in [0] : vector<16xf32>, vector<16xi32> -> vector<16xf32>
        %add3A_608 = arith.addf %add3A_604, %gather3A_607 : vector<16xf32>
        %max3A_609 = arith.constant 1.000000e-24 : f32
        %max3A_610 = vector.broadcast %max3A_609 : f32 to vector<16xf32>
        %max3A_611 = arith.maximumf %add3A_585, %max3A_610 : vector<16xf32>
        %div3A_612 = arith.divf %add3A_608, %max3A_611 : vector<16xf32>
        %mul3A_613 = arith.mulf %div3A_612, %get3A_506 : vector<16xf32>
        %sub3A_614 = arith.subf %get3A_538, %mul3A_613 : vector<16xf32>
        %add3A_615 = arith.addf %add3A_485, %sub3A_614 : vector<16xf32>
        %mul3A_616 = arith.mulf %div3A_612, %get3A_514 : vector<16xf32>
        %sub3A_617 = arith.subf %get3A_546, %mul3A_616 : vector<16xf32>
        %add3A_618 = arith.addf %add3A_488, %sub3A_617 : vector<16xf32>
        %mul3A_619 = arith.mulf %div3A_612, %get3A_522 : vector<16xf32>
        %sub3A_620 = arith.subf %get3A_554, %mul3A_619 : vector<16xf32>
        %add3A_621 = arith.addf %add3A_491, %sub3A_620 : vector<16xf32>
        %mul3A_622 = arith.mulf %div3A_612, %get3A_530 : vector<16xf32>
        %sub3A_623 = arith.subf %get3A_562, %mul3A_622 : vector<16xf32>
        %add3A_624 = arith.addf %add3A_494, %sub3A_623 : vector<16xf32>
        scf.yield %add3A_615, %add3A_618, %add3A_621, %add3A_624 : vector<16xf32>, vector<16xf32>, vector<16xf32>, vector<16xf32>
      }
      %scan3A_195 = arith.constant 100 : i32
      %mul3A_196 = arith.constant 5.000000e-03 : f32
      %mul3A_197 = vector.broadcast %mul3A_196 : f32 to vector<16xf32>
      %mul3A_198 = arith.mulf %scan3A_194#0, %mul3A_197 : vector<16xf32>
      %swap3A = arith.constant 0 : index
      %swap3A_199 = tpu.vector_load %arg9[%swap3A] {strides = array<i32>} : memref<64xf32, #tpu.memory_space<vmem>>, vector<16xf32>,
      %swap3A_200 = vector.shape_cast %swap3A_199 : vector<16xf32> to vector<16xf32>
      %swap3A_201 = vector.shape_cast %mul3A_198 : vector<16xf32> to vector<16xf32>
      tpu.vector_store %arg9[%swap3A], %swap3A_201 {strides = array<i32>} : memref<64xf32, #tpu.memory_space<vmem>>, vector<16xf32>,
      %mul3A_202 = arith.constant 5.000000e-03 : f32
      %mul3A_203 = vector.broadcast %mul3A_202 : f32 to vector<16xf32>
      %mul3A_204 = arith.mulf %scan3A_194#1, %mul3A_203 : vector<16xf32>
      %swap3A_205 = arith.constant 16 : index
      %swap3A_206 = tpu.vector_load %arg9[%swap3A_205] {strides = array<i32>} : memref<64xf32, #tpu.memory_space<vmem>>, vector<16xf32>,
      %swap3A_207 = vector.shape_cast %swap3A_206 : vector<16xf32> to vector<16xf32>
      %swap3A_208 = vector.shape_cast %mul3A_204 : vector<16xf32> to vector<16xf32>
      tpu.vector_store %arg9[%swap3A_205], %swap3A_208 {strides = array<i32>} : memref<64xf32, #tpu.memory_space<vmem>>, vector<16xf32>,
      %mul3A_209 = arith.constant 5.000000e-03 : f32
      %mul3A_210 = vector.broadcast %mul3A_209 : f32 to vector<16xf32>
      %mul3A_211 = arith.mulf %scan3A_194#2, %mul3A_210 : vector<16xf32>
      %swap3A_212 = arith.constant 32 : index
      %swap3A_213 = tpu.vector_load %arg9[%swap3A_212] {strides = array<i32>} : memref<64xf32, #tpu.memory_space<vmem>>, vector<16xf32>,
      %swap3A_214 = vector.shape_cast %swap3A_213 : vector<16xf32> to vector<16xf32>
      %swap3A_215 = vector.shape_cast %mul3A_211 : vector<16xf32> to vector<16xf32>
      tpu.vector_store %arg9[%swap3A_212], %swap3A_215 {strides = array<i32>} : memref<64xf32, #tpu.memory_space<vmem>>, vector<16xf32>,
      %mul3A_216 = arith.constant 5.000000e-03 : f32
      %mul3A_217 = vector.broadcast %mul3A_216 : f32 to vector<16xf32>
      %mul3A_218 = arith.mulf %scan3A_194#3, %mul3A_217 : vector<16xf32>
      %swap3A_219 = arith.constant 48 : index
      %swap3A_220 = tpu.vector_load %arg9[%swap3A_219] {strides = array<i32>} : memref<64xf32, #tpu.memory_space<vmem>>, vector<16xf32>,
      %swap3A_221 = vector.shape_cast %swap3A_220 : vector<16xf32> to vector<16xf32>
      %swap3A_222 = vector.shape_cast %mul3A_218 : vector<16xf32> to vector<16xf32>
      tpu.vector_store %arg9[%swap3A_219], %swap3A_222 {strides = array<i32>} : memref<64xf32, #tpu.memory_space<vmem>>, vector<16xf32>,
      %mul3A_223 = arith.constant 64 : i32
      %mul3A_224 = arith.muli %add3A_186, %mul3A_223 : i32
      "tpu.region"() ({
        %run_scoped3A = tpu.sem_alloc : memref<!tpu.dma_semaphore, #tpu.memory_space<semaphore_mem>>
        %dma_start3A_365 = tpu.memref_slice %arg5[%mul3A_224] : memref<262144xf32, #tpu.memory_space<hbm>> -> memref<64xf32, #tpu.memory_space<hbm>>
        %dma_start3A_366 = tpu.memref_slice %arg5[%mul3A_224] : memref<262144xf32, #tpu.memory_space<hbm>> -> memref<64xf32, #tpu.memory_space<hbm>>
        tpu.enqueue_dma source(%arg9 : memref<64xf32, #tpu.memory_space<vmem>>) target(%dma_start3A_366 : memref<64xf32, #tpu.memory_space<hbm>>) target_semaphore(%run_scoped3A : memref<!tpu.dma_semaphore, #tpu.memory_space<semaphore_mem>>)
        %dma_wait3A_367 = tpu.memref_slice %arg5[%mul3A_224] : memref<262144xf32, #tpu.memory_space<hbm>> -> memref<64xf32, #tpu.memory_space<hbm>>
        %dma_wait3A_368 = tpu.memref_slice %arg5[%mul3A_224] : memref<262144xf32, #tpu.memory_space<hbm>> -> memref<64xf32, #tpu.memory_space<hbm>>
        tpu.wait_dma2 semaphore(%run_scoped3A : memref<!tpu.dma_semaphore, #tpu.memory_space<semaphore_mem>>) src(%arg9 : memref<64xf32, #tpu.memory_space<vmem>>) dst(%dma_wait3A_368 : memref<64xf32, #tpu.memory_space<hbm>>)
        tpu.yield
      }) : () -> ()
      %mul3A_225 = arith.constant 2 : i32
      %mul3A_226 = arith.muli %scan3A_90, %mul3A_225 : i32
      %add3A_227 = arith.constant 1 : i32
      %add3A_228 = arith.addi %mul3A_226, %add3A_227 : i32
      %dma_wait3A_229 = arith.constant 0 : i32
      %dma_wait3A_230 = arith.constant 1 : i32
      %dma_wait3A_231 = arith.constant 1 : i32
      %dma_wait3A_232 = arith.constant 0 : i32
      %dma_wait3A_233 = arith.constant 0 : i32
      %dma_wait3A_234 = tpu.memref_slice %arg7[%dma_wait3A_230, %dma_wait3A_232, %dma_wait3A_233] : memref<2x200x64xf32, #tpu.memory_space<vmem>> -> memref<1x200x64xf32, #tpu.memory_space<vmem>>
      %dma_wait3A_235 = tpu.memref_squeeze %dma_wait3A_234 : memref<1x200x64xf32, #tpu.memory_space<vmem>> -> memref<200x64xf32, #tpu.memory_space<vmem>>
      %dma_wait3A_236 = arith.constant 0 : i32
      %dma_wait3A_237 = arith.constant 0 : i32
      %dma_wait3A_238 = tpu.memref_slice %dma_wait3A_235[%dma_wait3A_236, %dma_wait3A_237] : memref<200x64xf32, #tpu.memory_space<vmem>> -> memref<104x64xf32, #tpu.memory_space<vmem>>
      %dma_wait3A_239 = arith.constant 0 : i32
      %dma_wait3A_240 = arith.constant 0 : i32
      %dma_wait3A_241 = tpu.memref_slice %arg3[%dma_wait3A_229, %dma_wait3A_239, %dma_wait3A_240] : memref<4096x200x64xf32, #tpu.memory_space<hbm>> -> memref<1x200x64xf32, #tpu.memory_space<hbm>>
      %dma_wait3A_242 = tpu.memref_squeeze %dma_wait3A_241 : memref<1x200x64xf32, #tpu.memory_space<hbm>> -> memref<200x64xf32, #tpu.memory_space<hbm>>
      %dma_wait3A_243 = arith.constant 0 : i32
      %dma_wait3A_244 = arith.constant 0 : i32
      %dma_wait3A_245 = tpu.memref_slice %dma_wait3A_242[%dma_wait3A_243, %dma_wait3A_244] : memref<200x64xf32, #tpu.memory_space<hbm>> -> memref<104x64xf32, #tpu.memory_space<hbm>>
      %dma_wait3A_246 = tpu.memref_slice %arg10[%dma_wait3A_231] : memref<2x!tpu.dma_semaphore, #tpu.memory_space<semaphore_mem>> -> memref<1x!tpu.dma_semaphore, #tpu.memory_space<semaphore_mem>>
      %dma_wait3A_247 = tpu.memref_squeeze %dma_wait3A_246 : memref<1x!tpu.dma_semaphore, #tpu.memory_space<semaphore_mem>> -> memref<!tpu.dma_semaphore, #tpu.memory_space<semaphore_mem>>
      %dma_wait3A_248 = arith.constant 0 : i32
      %dma_wait3A_249 = arith.constant 0 : i32
      %dma_wait3A_250 = tpu.memref_slice %arg7[%dma_wait3A_230, %dma_wait3A_248, %dma_wait3A_249] : memref<2x200x64xf32, #tpu.memory_space<vmem>> -> memref<1x200x64xf32, #tpu.memory_space<vmem>>
      %dma_wait3A_251 = tpu.memref_squeeze %dma_wait3A_250 : memref<1x200x64xf32, #tpu.memory_space<vmem>> -> memref<200x64xf32, #tpu.memory_space<vmem>>
      %dma_wait3A_252 = arith.constant 0 : i32
      %dma_wait3A_253 = arith.constant 0 : i32
      %dma_wait3A_254 = tpu.memref_slice %dma_wait3A_251[%dma_wait3A_252, %dma_wait3A_253] : memref<200x64xf32, #tpu.memory_space<vmem>> -> memref<104x64xf32, #tpu.memory_space<vmem>>
      %dma_wait3A_255 = arith.constant 0 : i32
      %dma_wait3A_256 = arith.constant 0 : i32
      %dma_wait3A_257 = tpu.memref_slice %arg3[%dma_wait3A_229, %dma_wait3A_255, %dma_wait3A_256] : memref<4096x200x64xf32, #tpu.memory_space<hbm>> -> memref<1x200x64xf32, #tpu.memory_space<hbm>>
      %dma_wait3A_258 = tpu.memref_squeeze %dma_wait3A_257 : memref<1x200x64xf32, #tpu.memory_space<hbm>> -> memref<200x64xf32, #tpu.memory_space<hbm>>
      %dma_wait3A_259 = arith.constant 0 : i32
      %dma_wait3A_260 = arith.constant 0 : i32
      %dma_wait3A_261 = tpu.memref_slice %dma_wait3A_258[%dma_wait3A_259, %dma_wait3A_260] : memref<200x64xf32, #tpu.memory_space<hbm>> -> memref<104x64xf32, #tpu.memory_space<hbm>>
      tpu.wait_dma2 semaphore(%dma_wait3A_247 : memref<!tpu.dma_semaphore, #tpu.memory_space<semaphore_mem>>) src(%dma_wait3A_261 : memref<104x64xf32, #tpu.memory_space<hbm>>) dst(%dma_wait3A_254 : memref<104x64xf32, #tpu.memory_space<vmem>>)
      %dma_wait3A_262 = arith.constant 0 : i32
      %dma_wait3A_263 = arith.constant 1 : i32
      %dma_wait3A_264 = arith.constant 1 : i32
      %dma_wait3A_265 = arith.constant 0 : i32
      %dma_wait3A_266 = arith.constant 0 : i32
      %dma_wait3A_267 = tpu.memref_slice %arg7[%dma_wait3A_263, %dma_wait3A_265, %dma_wait3A_266] : memref<2x200x64xf32, #tpu.memory_space<vmem>> -> memref<1x200x64xf32, #tpu.memory_space<vmem>>
      %dma_wait3A_268 = tpu.memref_squeeze %dma_wait3A_267 : memref<1x200x64xf32, #tpu.memory_space<vmem>> -> memref<200x64xf32, #tpu.memory_space<vmem>>
      %dma_wait3A_269 = arith.constant 104 : i32
      %dma_wait3A_270 = arith.constant 0 : i32
      %dma_wait3A_271 = tpu.memref_slice %dma_wait3A_268[%dma_wait3A_269, %dma_wait3A_270] : memref<200x64xf32, #tpu.memory_space<vmem>> -> memref<96x64xf32, #tpu.memory_space<vmem>>
      %dma_wait3A_272 = arith.constant 0 : i32
      %dma_wait3A_273 = arith.constant 0 : i32
      %dma_wait3A_274 = tpu.memref_slice %arg3[%dma_wait3A_262, %dma_wait3A_272, %dma_wait3A_273] : memref<4096x200x64xf32, #tpu.memory_space<hbm>> -> memref<1x200x64xf32, #tpu.memory_space<hbm>>
      %dma_wait3A_275 = tpu.memref_squeeze %dma_wait3A_274 : memref<1x200x64xf32, #tpu.memory_space<hbm>> -> memref<200x64xf32, #tpu.memory_space<hbm>>
      %dma_wait3A_276 = arith.constant 0 : i32
      %dma_wait3A_277 = arith.constant 0 : i32
      %dma_wait3A_278 = tpu.memref_slice %dma_wait3A_275[%dma_wait3A_276, %dma_wait3A_277] : memref<200x64xf32, #tpu.memory_space<hbm>> -> memref<96x64xf32, #tpu.memory_space<hbm>>
      %dma_wait3A_279 = tpu.memref_slice %arg10[%dma_wait3A_264] : memref<2x!tpu.dma_semaphore, #tpu.memory_space<semaphore_mem>> -> memref<1x!tpu.dma_semaphore, #tpu.memory_space<semaphore_mem>>
      %dma_wait3A_280 = tpu.memref_squeeze %dma_wait3A_279 : memref<1x!tpu.dma_semaphore, #tpu.memory_space<semaphore_mem>> -> memref<!tpu.dma_semaphore, #tpu.memory_space<semaphore_mem>>
      %dma_wait3A_281 = arith.constant 0 : i32
      %dma_wait3A_282 = arith.constant 0 : i32
      %dma_wait3A_283 = tpu.memref_slice %arg7[%dma_wait3A_263, %dma_wait3A_281, %dma_wait3A_282] : memref<2x200x64xf32, #tpu.memory_space<vmem>> -> memref<1x200x64xf32, #tpu.memory_space<vmem>>
      %dma_wait3A_284 = tpu.memref_squeeze %dma_wait3A_283 : memref<1x200x64xf32, #tpu.memory_space<vmem>> -> memref<200x64xf32, #tpu.memory_space<vmem>>
      %dma_wait3A_285 = arith.constant 104 : i32
      %dma_wait3A_286 = arith.constant 0 : i32
      %dma_wait3A_287 = tpu.memref_slice %dma_wait3A_284[%dma_wait3A_285, %dma_wait3A_286] : memref<200x64xf32, #tpu.memory_space<vmem>> -> memref<96x64xf32, #tpu.memory_space<vmem>>
      %dma_wait3A_288 = arith.constant 0 : i32
      %dma_wait3A_289 = arith.constant 0 : i32
      %dma_wait3A_290 = tpu.memref_slice %arg3[%dma_wait3A_262, %dma_wait3A_288, %dma_wait3A_289] : memref<4096x200x64xf32, #tpu.memory_space<hbm>> -> memref<1x200x64xf32, #tpu.memory_space<hbm>>
      %dma_wait3A_291 = tpu.memref_squeeze %dma_wait3A_290 : memref<1x200x64xf32, #tpu.memory_space<hbm>> -> memref<200x64xf32, #tpu.memory_space<hbm>>
      %dma_wait3A_292 = arith.constant 0 : i32
      %dma_wait3A_293 = arith.constant 0 : i32
      %dma_wait3A_294 = tpu.memref_slice %dma_wait3A_291[%dma_wait3A_292, %dma_wait3A_293] : memref<200x64xf32, #tpu.memory_space<hbm>> -> memref<96x64xf32, #tpu.memory_space<hbm>>
      tpu.wait_dma2 semaphore(%dma_wait3A_280 : memref<!tpu.dma_semaphore, #tpu.memory_space<semaphore_mem>>) src(%dma_wait3A_294 : memref<96x64xf32, #tpu.memory_space<hbm>>) dst(%dma_wait3A_287 : memref<96x64xf32, #tpu.memory_space<vmem>>)
      %dma_wait3A_295 = arith.constant 0 : i32
      %dma_wait3A_296 = arith.constant 1 : i32
      %dma_wait3A_297 = arith.constant 1 : i32
      %dma_wait3A_298 = arith.constant 0 : i32
      %dma_wait3A_299 = arith.constant 0 : i32
      %dma_wait3A_300 = tpu.memref_slice %arg8[%dma_wait3A_296, %dma_wait3A_298, %dma_wait3A_299] : memref<2x200x64xf32, #tpu.memory_space<vmem>> -> memref<1x200x64xf32, #tpu.memory_space<vmem>>
      %dma_wait3A_301 = tpu.memref_squeeze %dma_wait3A_300 : memref<1x200x64xf32, #tpu.memory_space<vmem>> -> memref<200x64xf32, #tpu.memory_space<vmem>>
      %dma_wait3A_302 = arith.constant 0 : i32
      %dma_wait3A_303 = arith.constant 0 : i32
      %dma_wait3A_304 = tpu.memref_slice %arg3[%dma_wait3A_295, %dma_wait3A_302, %dma_wait3A_303] : memref<4096x200x64xf32, #tpu.memory_space<hbm>> -> memref<1x200x64xf32, #tpu.memory_space<hbm>>
      %dma_wait3A_305 = tpu.memref_squeeze %dma_wait3A_304 : memref<1x200x64xf32, #tpu.memory_space<hbm>> -> memref<200x64xf32, #tpu.memory_space<hbm>>
      %dma_wait3A_306 = tpu.memref_slice %arg10[%dma_wait3A_297] : memref<2x!tpu.dma_semaphore, #tpu.memory_space<semaphore_mem>> -> memref<1x!tpu.dma_semaphore, #tpu.memory_space<semaphore_mem>>
      %dma_wait3A_307 = tpu.memref_squeeze %dma_wait3A_306 : memref<1x!tpu.dma_semaphore, #tpu.memory_space<semaphore_mem>> -> memref<!tpu.dma_semaphore, #tpu.memory_space<semaphore_mem>>
      %dma_wait3A_308 = arith.constant 0 : i32
      %dma_wait3A_309 = arith.constant 0 : i32
      %dma_wait3A_310 = tpu.memref_slice %arg8[%dma_wait3A_296, %dma_wait3A_308, %dma_wait3A_309] : memref<2x200x64xf32, #tpu.memory_space<vmem>> -> memref<1x200x64xf32, #tpu.memory_space<vmem>>
      %dma_wait3A_311 = tpu.memref_squeeze %dma_wait3A_310 : memref<1x200x64xf32, #tpu.memory_space<vmem>> -> memref<200x64xf32, #tpu.memory_space<vmem>>
      %dma_wait3A_312 = arith.constant 0 : i32
      %dma_wait3A_313 = arith.constant 0 : i32
      %dma_wait3A_314 = tpu.memref_slice %arg3[%dma_wait3A_295, %dma_wait3A_312, %dma_wait3A_313] : memref<4096x200x64xf32, #tpu.memory_space<hbm>> -> memref<1x200x64xf32, #tpu.memory_space<hbm>>
      %dma_wait3A_315 = tpu.memref_squeeze %dma_wait3A_314 : memref<1x200x64xf32, #tpu.memory_space<hbm>> -> memref<200x64xf32, #tpu.memory_space<hbm>>
      tpu.wait_dma2 semaphore(%dma_wait3A_307 : memref<!tpu.dma_semaphore, #tpu.memory_space<semaphore_mem>>) src(%dma_wait3A_315 : memref<200x64xf32, #tpu.memory_space<hbm>>) dst(%dma_wait3A_311 : memref<200x64xf32, #tpu.memory_space<vmem>>)
      %add3A_316 = arith.constant 1 : i32
      %add3A_317 = arith.addi %add3A_228, %add3A_316 : i32
      %lt3A_318 = arith.constant 128 : i32
      %lt3A_319 = arith.cmpi slt, %add3A_317, %lt3A_318 : i32
      %convert_element_type3A_320 = arith.extui %lt3A_319 : i1 to i32
      %cond3A_321 = arith.constant 0 : i32
      %cond3A_322 = arith.cmpi ne, %convert_element_type3A_320, %cond3A_321 : i32
      scf.if %cond3A_322 {
        %add3A_365 = arith.constant 1 : i32
        %add3A_366 = arith.addi %add3A_228, %add3A_365 : i32
        %mul3A_367 = arith.constant 200 : i32
        %mul3A_368 = arith.muli %add3A_366, %mul3A_367 : i32
        %add3A_369 = arith.constant 0 : i32
        %add3A_370 = arith.addi %mul3A_368, %add3A_369 : i32
        %dma_start3A_371 = arith.constant 0 : i32
        %dma_start3A_372 = arith.constant 0 : i32
        %dma_start3A_373 = arith.constant 0 : i32
        %dma_start3A_374 = arith.constant 0 : i32
        %dma_start3A_375 = tpu.memref_slice %arg7[%dma_start3A_371, %dma_start3A_373, %dma_start3A_374] : memref<2x200x64xf32, #tpu.memory_space<vmem>> -> memref<1x200x64xf32, #tpu.memory_space<vmem>>
        %dma_start3A_376 = tpu.memref_squeeze %dma_start3A_375 : memref<1x200x64xf32, #tpu.memory_space<vmem>> -> memref<200x64xf32, #tpu.memory_space<vmem>>
        %dma_start3A_377 = arith.constant 0 : i32
        %dma_start3A_378 = arith.constant 0 : i32
        %dma_start3A_379 = tpu.memref_slice %dma_start3A_376[%dma_start3A_377, %dma_start3A_378] : memref<200x64xf32, #tpu.memory_space<vmem>> -> memref<104x64xf32, #tpu.memory_space<vmem>>
        %dma_start3A_380 = tpu.memref_slice %arg6[%add3A_370] : memref<25600xi32, #tpu.memory_space<vmem>> -> memref<104xi32, #tpu.memory_space<vmem>>
        %dma_start3A_381 = arith.constant 0 : i32
        %dma_start3A_382 = arith.constant 0 : i32
        %dma_start3A_383 = tpu.memref_slice %arg4[%dma_start3A_381, %dma_start3A_382] : memref<200001x64xf32, #tpu.memory_space<hbm>> -> memref<200001x64xf32, #tpu.memory_space<hbm>>
        %dma_start3A_384 = tpu.memref_slice %arg10[%dma_start3A_372] : memref<2x!tpu.dma_semaphore, #tpu.memory_space<semaphore_mem>> -> memref<1x!tpu.dma_semaphore, #tpu.memory_space<semaphore_mem>>
        %dma_start3A_385 = tpu.memref_squeeze %dma_start3A_384 : memref<1x!tpu.dma_semaphore, #tpu.memory_space<semaphore_mem>> -> memref<!tpu.dma_semaphore, #tpu.memory_space<semaphore_mem>>
        tpu.enqueue_indirect_dma source(%dma_start3A_383 : memref<200001x64xf32, #tpu.memory_space<hbm>>) target(%dma_start3A_379 : memref<104x64xf32, #tpu.memory_space<vmem>>) offsets(%dma_start3A_380 : memref<104xi32, #tpu.memory_space<vmem>>) semaphore(%dma_start3A_385 : memref<!tpu.dma_semaphore, #tpu.memory_space<semaphore_mem>>)
        %mul3A_386 = arith.constant 200 : i32
        %mul3A_387 = arith.muli %add3A_366, %mul3A_386 : i32
        %add3A_388 = arith.constant 104 : i32
        %add3A_389 = arith.addi %mul3A_387, %add3A_388 : i32
        %dma_start3A_390 = arith.constant 0 : i32
        %dma_start3A_391 = arith.constant 0 : i32
        %dma_start3A_392 = arith.constant 0 : i32
        %dma_start3A_393 = arith.constant 0 : i32
        %dma_start3A_394 = tpu.memref_slice %arg7[%dma_start3A_390, %dma_start3A_392, %dma_start3A_393] : memref<2x200x64xf32, #tpu.memory_space<vmem>> -> memref<1x200x64xf32, #tpu.memory_space<vmem>>
        %dma_start3A_395 = tpu.memref_squeeze %dma_start3A_394 : memref<1x200x64xf32, #tpu.memory_space<vmem>> -> memref<200x64xf32, #tpu.memory_space<vmem>>
        %dma_start3A_396 = arith.constant 104 : i32
        %dma_start3A_397 = arith.constant 0 : i32
        %dma_start3A_398 = tpu.memref_slice %dma_start3A_395[%dma_start3A_396, %dma_start3A_397] : memref<200x64xf32, #tpu.memory_space<vmem>> -> memref<96x64xf32, #tpu.memory_space<vmem>>
        %dma_start3A_399 = tpu.memref_slice %arg6[%add3A_389] : memref<25600xi32, #tpu.memory_space<vmem>> -> memref<96xi32, #tpu.memory_space<vmem>>
        %dma_start3A_400 = arith.constant 0 : i32
        %dma_start3A_401 = arith.constant 0 : i32
        %dma_start3A_402 = tpu.memref_slice %arg4[%dma_start3A_400, %dma_start3A_401] : memref<200001x64xf32, #tpu.memory_space<hbm>> -> memref<200001x64xf32, #tpu.memory_space<hbm>>
        %dma_start3A_403 = tpu.memref_slice %arg10[%dma_start3A_391] : memref<2x!tpu.dma_semaphore, #tpu.memory_space<semaphore_mem>> -> memref<1x!tpu.dma_semaphore, #tpu.memory_space<semaphore_mem>>
        %dma_start3A_404 = tpu.memref_squeeze %dma_start3A_403 : memref<1x!tpu.dma_semaphore, #tpu.memory_space<semaphore_mem>> -> memref<!tpu.dma_semaphore, #tpu.memory_space<semaphore_mem>>
        tpu.enqueue_indirect_dma source(%dma_start3A_402 : memref<200001x64xf32, #tpu.memory_space<hbm>>) target(%dma_start3A_398 : memref<96x64xf32, #tpu.memory_space<vmem>>) offsets(%dma_start3A_399 : memref<96xi32, #tpu.memory_space<vmem>>) semaphore(%dma_start3A_404 : memref<!tpu.dma_semaphore, #tpu.memory_space<semaphore_mem>>)
        %add3A_405 = arith.addi %mul3A_2, %add3A_366 : i32
        %dma_start3A_406 = arith.constant 0 : i32
        %dma_start3A_407 = arith.constant 0 : i32
        %dma_start3A_408 = arith.constant 0 : i32
        %dma_start3A_409 = arith.constant 0 : i32
        %dma_start3A_410 = tpu.memref_slice %arg8[%dma_start3A_406, %dma_start3A_408, %dma_start3A_409] : memref<2x200x64xf32, #tpu.memory_space<vmem>> -> memref<1x200x64xf32, #tpu.memory_space<vmem>>
        %dma_start3A_411 = tpu.memref_squeeze %dma_start3A_410 : memref<1x200x64xf32, #tpu.memory_space<vmem>> -> memref<200x64xf32, #tpu.memory_space<vmem>>
        %dma_start3A_412 = arith.constant 0 : i32
        %dma_start3A_413 = arith.constant 0 : i32
        %dma_start3A_414 = tpu.memref_slice %arg3[%add3A_405, %dma_start3A_412, %dma_start3A_413] : memref<4096x200x64xf32, #tpu.memory_space<hbm>> -> memref<1x200x64xf32, #tpu.memory_space<hbm>>
        %dma_start3A_415 = tpu.memref_squeeze %dma_start3A_414 : memref<1x200x64xf32, #tpu.memory_space<hbm>> -> memref<200x64xf32, #tpu.memory_space<hbm>>
        %dma_start3A_416 = tpu.memref_slice %arg10[%dma_start3A_407] : memref<2x!tpu.dma_semaphore, #tpu.memory_space<semaphore_mem>> -> memref<1x!tpu.dma_semaphore, #tpu.memory_space<semaphore_mem>>
        %dma_start3A_417 = tpu.memref_squeeze %dma_start3A_416 : memref<1x!tpu.dma_semaphore, #tpu.memory_space<semaphore_mem>> -> memref<!tpu.dma_semaphore, #tpu.memory_space<semaphore_mem>>
        %dma_start3A_418 = arith.constant 0 : i32
        %dma_start3A_419 = arith.constant 0 : i32
        %dma_start3A_420 = tpu.memref_slice %arg8[%dma_start3A_406, %dma_start3A_418, %dma_start3A_419] : memref<2x200x64xf32, #tpu.memory_space<vmem>> -> memref<1x200x64xf32, #tpu.memory_space<vmem>>
        %dma_start3A_421 = tpu.memref_squeeze %dma_start3A_420 : memref<1x200x64xf32, #tpu.memory_space<vmem>> -> memref<200x64xf32, #tpu.memory_space<vmem>>
        %dma_start3A_422 = arith.constant 0 : i32
        %dma_start3A_423 = arith.constant 0 : i32
        %dma_start3A_424 = tpu.memref_slice %arg3[%add3A_405, %dma_start3A_422, %dma_start3A_423] : memref<4096x200x64xf32, #tpu.memory_space<hbm>> -> memref<1x200x64xf32, #tpu.memory_space<hbm>>
        %dma_start3A_425 = tpu.memref_squeeze %dma_start3A_424 : memref<1x200x64xf32, #tpu.memory_space<hbm>> -> memref<200x64xf32, #tpu.memory_space<hbm>>
        tpu.enqueue_dma source(%dma_start3A_425 : memref<200x64xf32, #tpu.memory_space<hbm>>) target(%dma_start3A_421 : memref<200x64xf32, #tpu.memory_space<vmem>>) target_semaphore(%dma_start3A_417 : memref<!tpu.dma_semaphore, #tpu.memory_space<semaphore_mem>>)
      } else {
      }
      %add3A_323 = arith.addi %mul3A_2, %add3A_228 : i32
      %broadcast_in_dim3A_324 = arith.constant 0.000000e+00 : f32
      %broadcast_in_dim3A_325 = vector.broadcast %broadcast_in_dim3A_324 : f32 to vector<16xf32>
      %scan3A_326 = arith.constant 1 : i32
      %scan3A_327 = arith.constant 1 : i32
      %scan3A_328 = arith.constant 0 : i32
      %scan3A_329 = arith.constant 100 : i32
      %scan3A_330 = arith.addi %scan3A_328, %scan3A_329 : i32
      %scan3A_331 = arith.constant 1 : i32
      %scan3A_332:4 = scf.for %scan3A_365 = %scan3A_328 to %scan3A_330 step %scan3A_331 iter_args(%scan3A_366 = %broadcast_in_dim3A_325, %scan3A_367 = %broadcast_in_dim3A_325, %scan3A_368 = %broadcast_in_dim3A_325, %scan3A_369 = %broadcast_in_dim3A_325) -> (vector<16xf32>, vector<16xf32>, vector<16xf32>, vector<16xf32>)  : i32 {
        %mul3A_370 = arith.constant 2 : i32
        %mul3A_371 = arith.muli %scan3A_365, %mul3A_370 : i32
        %add3A_372 = arith.constant 0 : i32
        %add3A_373 = arith.addi %mul3A_371, %add3A_372 : i32
        %get3A = arith.constant 0 : i32
        %get3A_374 = arith.constant 0 : i32
        %get3A_375 = tpu.memref_slice %arg7[%scan3A_326, %get3A, %get3A_374] : memref<2x200x64xf32, #tpu.memory_space<vmem>> -> memref<1x200x64xf32, #tpu.memory_space<vmem>>
        %get3A_376 = tpu.memref_squeeze %get3A_375 : memref<1x200x64xf32, #tpu.memory_space<vmem>> -> memref<200x64xf32, #tpu.memory_space<vmem>>
        %get3A_377 = arith.index_cast %add3A_373 : i32 to index
        %get3A_378 = arith.constant 0 : index
        %get3A_379 = tpu.vector_load %get3A_376[%get3A_377, %get3A_378] {strides = array<i32>} : memref<200x64xf32, #tpu.memory_space<vmem>>, vector<1x16xf32>,
        %get3A_380 = vector.shape_cast %get3A_379 : vector<1x16xf32> to vector<16xf32>
        %get3A_381 = arith.constant 0 : i32
        %get3A_382 = arith.constant 0 : i32
        %get3A_383 = tpu.memref_slice %arg7[%scan3A_326, %get3A_381, %get3A_382] : memref<2x200x64xf32, #tpu.memory_space<vmem>> -> memref<1x200x64xf32, #tpu.memory_space<vmem>>
        %get3A_384 = tpu.memref_squeeze %get3A_383 : memref<1x200x64xf32, #tpu.memory_space<vmem>> -> memref<200x64xf32, #tpu.memory_space<vmem>>
        %get3A_385 = arith.index_cast %add3A_373 : i32 to index
        %get3A_386 = arith.constant 16 : index
        %get3A_387 = tpu.vector_load %get3A_384[%get3A_385, %get3A_386] {strides = array<i32>} : memref<200x64xf32, #tpu.memory_space<vmem>>, vector<1x16xf32>,
        %get3A_388 = vector.shape_cast %get3A_387 : vector<1x16xf32> to vector<16xf32>
        %get3A_389 = arith.constant 0 : i32
        %get3A_390 = arith.constant 0 : i32
        %get3A_391 = tpu.memref_slice %arg7[%scan3A_326, %get3A_389, %get3A_390] : memref<2x200x64xf32, #tpu.memory_space<vmem>> -> memref<1x200x64xf32, #tpu.memory_space<vmem>>
        %get3A_392 = tpu.memref_squeeze %get3A_391 : memref<1x200x64xf32, #tpu.memory_space<vmem>> -> memref<200x64xf32, #tpu.memory_space<vmem>>
        %get3A_393 = arith.index_cast %add3A_373 : i32 to index
        %get3A_394 = arith.constant 32 : index
        %get3A_395 = tpu.vector_load %get3A_392[%get3A_393, %get3A_394] {strides = array<i32>} : memref<200x64xf32, #tpu.memory_space<vmem>>, vector<1x16xf32>,
        %get3A_396 = vector.shape_cast %get3A_395 : vector<1x16xf32> to vector<16xf32>
        %get3A_397 = arith.constant 0 : i32
        %get3A_398 = arith.constant 0 : i32
        %get3A_399 = tpu.memref_slice %arg7[%scan3A_326, %get3A_397, %get3A_398] : memref<2x200x64xf32, #tpu.memory_space<vmem>> -> memref<1x200x64xf32, #tpu.memory_space<vmem>>
        %get3A_400 = tpu.memref_squeeze %get3A_399 : memref<1x200x64xf32, #tpu.memory_space<vmem>> -> memref<200x64xf32, #tpu.memory_space<vmem>>
        %get3A_401 = arith.index_cast %add3A_373 : i32 to index
        %get3A_402 = arith.constant 48 : index
        %get3A_403 = tpu.vector_load %get3A_400[%get3A_401, %get3A_402] {strides = array<i32>} : memref<200x64xf32, #tpu.memory_space<vmem>>, vector<1x16xf32>,
        %get3A_404 = vector.shape_cast %get3A_403 : vector<1x16xf32> to vector<16xf32>
        %get3A_405 = arith.constant 0 : i32
        %get3A_406 = arith.constant 0 : i32
        %get3A_407 = tpu.memref_slice %arg8[%scan3A_327, %get3A_405, %get3A_406] : memref<2x200x64xf32, #tpu.memory_space<vmem>> -> memref<1x200x64xf32, #tpu.memory_space<vmem>>
        %get3A_408 = tpu.memref_squeeze %get3A_407 : memref<1x200x64xf32, #tpu.memory_space<vmem>> -> memref<200x64xf32, #tpu.memory_space<vmem>>
        %get3A_409 = arith.index_cast %add3A_373 : i32 to index
        %get3A_410 = arith.constant 0 : index
        %get3A_411 = tpu.vector_load %get3A_408[%get3A_409, %get3A_410] {strides = array<i32>} : memref<200x64xf32, #tpu.memory_space<vmem>>, vector<1x16xf32>,
        %get3A_412 = vector.shape_cast %get3A_411 : vector<1x16xf32> to vector<16xf32>
        %get3A_413 = arith.constant 0 : i32
        %get3A_414 = arith.constant 0 : i32
        %get3A_415 = tpu.memref_slice %arg8[%scan3A_327, %get3A_413, %get3A_414] : memref<2x200x64xf32, #tpu.memory_space<vmem>> -> memref<1x200x64xf32, #tpu.memory_space<vmem>>
        %get3A_416 = tpu.memref_squeeze %get3A_415 : memref<1x200x64xf32, #tpu.memory_space<vmem>> -> memref<200x64xf32, #tpu.memory_space<vmem>>
        %get3A_417 = arith.index_cast %add3A_373 : i32 to index
        %get3A_418 = arith.constant 16 : index
        %get3A_419 = tpu.vector_load %get3A_416[%get3A_417, %get3A_418] {strides = array<i32>} : memref<200x64xf32, #tpu.memory_space<vmem>>, vector<1x16xf32>,
        %get3A_420 = vector.shape_cast %get3A_419 : vector<1x16xf32> to vector<16xf32>
        %get3A_421 = arith.constant 0 : i32
        %get3A_422 = arith.constant 0 : i32
        %get3A_423 = tpu.memref_slice %arg8[%scan3A_327, %get3A_421, %get3A_422] : memref<2x200x64xf32, #tpu.memory_space<vmem>> -> memref<1x200x64xf32, #tpu.memory_space<vmem>>
        %get3A_424 = tpu.memref_squeeze %get3A_423 : memref<1x200x64xf32, #tpu.memory_space<vmem>> -> memref<200x64xf32, #tpu.memory_space<vmem>>
        %get3A_425 = arith.index_cast %add3A_373 : i32 to index
        %get3A_426 = arith.constant 32 : index
        %get3A_427 = tpu.vector_load %get3A_424[%get3A_425, %get3A_426] {strides = array<i32>} : memref<200x64xf32, #tpu.memory_space<vmem>>, vector<1x16xf32>,
        %get3A_428 = vector.shape_cast %get3A_427 : vector<1x16xf32> to vector<16xf32>
        %get3A_429 = arith.constant 0 : i32
        %get3A_430 = arith.constant 0 : i32
        %get3A_431 = tpu.memref_slice %arg8[%scan3A_327, %get3A_429, %get3A_430] : memref<2x200x64xf32, #tpu.memory_space<vmem>> -> memref<1x200x64xf32, #tpu.memory_space<vmem>>
        %get3A_432 = tpu.memref_squeeze %get3A_431 : memref<1x200x64xf32, #tpu.memory_space<vmem>> -> memref<200x64xf32, #tpu.memory_space<vmem>>
        %get3A_433 = arith.index_cast %add3A_373 : i32 to index
        %get3A_434 = arith.constant 48 : index
        %get3A_435 = tpu.vector_load %get3A_432[%get3A_433, %get3A_434] {strides = array<i32>} : memref<200x64xf32, #tpu.memory_space<vmem>>, vector<1x16xf32>,
        %get3A_436 = vector.shape_cast %get3A_435 : vector<1x16xf32> to vector<16xf32>
        %mul3A_437 = arith.mulf %get3A_380, %get3A_380 : vector<16xf32>
        %mul3A_438 = arith.mulf %get3A_388, %get3A_388 : vector<16xf32>
        %add3A_439 = arith.addf %mul3A_437, %mul3A_438 : vector<16xf32>
        %mul3A_440 = arith.mulf %get3A_396, %get3A_396 : vector<16xf32>
        %add3A_441 = arith.addf %add3A_439, %mul3A_440 : vector<16xf32>
        %mul3A_442 = arith.mulf %get3A_404, %get3A_404 : vector<16xf32>
        %add3A_443 = arith.addf %add3A_441, %mul3A_442 : vector<16xf32>
        %broadcast_in_dim3A_444 = vector.shape_cast %and3A_9 : vector<16xi32> to vector<16x1xi32>
        %gather3A = vector.shape_cast %broadcast_in_dim3A_444 : vector<16x1xi32> to vector<16xi32>
        %gather3A_445 = tpu.dynamic_gather %add3A_443[%gather3A] in [0] : vector<16xf32>, vector<16xi32> -> vector<16xf32>
        %add3A_446 = arith.addf %add3A_443, %gather3A_445 : vector<16xf32>
        %broadcast_in_dim3A_447 = vector.shape_cast %and3A_16 : vector<16xi32> to vector<16x1xi32>
        %gather3A_448 = vector.shape_cast %broadcast_in_dim3A_447 : vector<16x1xi32> to vector<16xi32>
        %gather3A_449 = tpu.dynamic_gather %add3A_446[%gather3A_448] in [0] : vector<16xf32>, vector<16xi32> -> vector<16xf32>
        %add3A_450 = arith.addf %add3A_446, %gather3A_449 : vector<16xf32>
        %broadcast_in_dim3A_451 = vector.shape_cast %and3A_23 : vector<16xi32> to vector<16x1xi32>
        %gather3A_452 = vector.shape_cast %broadcast_in_dim3A_451 : vector<16x1xi32> to vector<16xi32>
        %gather3A_453 = tpu.dynamic_gather %add3A_450[%gather3A_452] in [0] : vector<16xf32>, vector<16xi32> -> vector<16xf32>
        %add3A_454 = arith.addf %add3A_450, %gather3A_453 : vector<16xf32>
        %broadcast_in_dim3A_455 = vector.shape_cast %and3A_30 : vector<16xi32> to vector<16x1xi32>
        %gather3A_456 = vector.shape_cast %broadcast_in_dim3A_455 : vector<16x1xi32> to vector<16xi32>
        %gather3A_457 = tpu.dynamic_gather %add3A_454[%gather3A_456] in [0] : vector<16xf32>, vector<16xi32> -> vector<16xf32>
        %add3A_458 = arith.addf %add3A_454, %gather3A_457 : vector<16xf32>
        %mul3A_459 = arith.mulf %get3A_412, %get3A_380 : vector<16xf32>
        %mul3A_460 = arith.mulf %get3A_420, %get3A_388 : vector<16xf32>
        %add3A_461 = arith.addf %mul3A_459, %mul3A_460 : vector<16xf32>
        %mul3A_462 = arith.mulf %get3A_428, %get3A_396 : vector<16xf32>
        %add3A_463 = arith.addf %add3A_461, %mul3A_462 : vector<16xf32>
        %mul3A_464 = arith.mulf %get3A_436, %get3A_404 : vector<16xf32>
        %add3A_465 = arith.addf %add3A_463, %mul3A_464 : vector<16xf32>
        %broadcast_in_dim3A_466 = vector.shape_cast %and3A_9 : vector<16xi32> to vector<16x1xi32>
        %gather3A_467 = vector.shape_cast %broadcast_in_dim3A_466 : vector<16x1xi32> to vector<16xi32>
        %gather3A_468 = tpu.dynamic_gather %add3A_465[%gather3A_467] in [0] : vector<16xf32>, vector<16xi32> -> vector<16xf32>
        %add3A_469 = arith.addf %add3A_465, %gather3A_468 : vector<16xf32>
        %broadcast_in_dim3A_470 = vector.shape_cast %and3A_16 : vector<16xi32> to vector<16x1xi32>
        %gather3A_471 = vector.shape_cast %broadcast_in_dim3A_470 : vector<16x1xi32> to vector<16xi32>
        %gather3A_472 = tpu.dynamic_gather %add3A_469[%gather3A_471] in [0] : vector<16xf32>, vector<16xi32> -> vector<16xf32>
        %add3A_473 = arith.addf %add3A_469, %gather3A_472 : vector<16xf32>
        %broadcast_in_dim3A_474 = vector.shape_cast %and3A_23 : vector<16xi32> to vector<16x1xi32>
        %gather3A_475 = vector.shape_cast %broadcast_in_dim3A_474 : vector<16x1xi32> to vector<16xi32>
        %gather3A_476 = tpu.dynamic_gather %add3A_473[%gather3A_475] in [0] : vector<16xf32>, vector<16xi32> -> vector<16xf32>
        %add3A_477 = arith.addf %add3A_473, %gather3A_476 : vector<16xf32>
        %broadcast_in_dim3A_478 = vector.shape_cast %and3A_30 : vector<16xi32> to vector<16x1xi32>
        %gather3A_479 = vector.shape_cast %broadcast_in_dim3A_478 : vector<16x1xi32> to vector<16xi32>
        %gather3A_480 = tpu.dynamic_gather %add3A_477[%gather3A_479] in [0] : vector<16xf32>, vector<16xi32> -> vector<16xf32>
        %add3A_481 = arith.addf %add3A_477, %gather3A_480 : vector<16xf32>
        %max3A = arith.constant 1.000000e-24 : f32
        %max3A_482 = vector.broadcast %max3A : f32 to vector<16xf32>
        %max3A_483 = arith.maximumf %add3A_458, %max3A_482 : vector<16xf32>
        %div3A = arith.divf %add3A_481, %max3A_483 : vector<16xf32>
        %mul3A_484 = arith.mulf %div3A, %get3A_380 : vector<16xf32>
        %sub3A = arith.subf %get3A_412, %mul3A_484 : vector<16xf32>
        %add3A_485 = arith.addf %scan3A_366, %sub3A : vector<16xf32>
        %mul3A_486 = arith.mulf %div3A, %get3A_388 : vector<16xf32>
        %sub3A_487 = arith.subf %get3A_420, %mul3A_486 : vector<16xf32>
        %add3A_488 = arith.addf %scan3A_367, %sub3A_487 : vector<16xf32>
        %mul3A_489 = arith.mulf %div3A, %get3A_396 : vector<16xf32>
        %sub3A_490 = arith.subf %get3A_428, %mul3A_489 : vector<16xf32>
        %add3A_491 = arith.addf %scan3A_368, %sub3A_490 : vector<16xf32>
        %mul3A_492 = arith.mulf %div3A, %get3A_404 : vector<16xf32>
        %sub3A_493 = arith.subf %get3A_436, %mul3A_492 : vector<16xf32>
        %add3A_494 = arith.addf %scan3A_369, %sub3A_493 : vector<16xf32>
        %mul3A_495 = arith.constant 2 : i32
        %mul3A_496 = arith.muli %scan3A_365, %mul3A_495 : i32
        %add3A_497 = arith.constant 1 : i32
        %add3A_498 = arith.addi %mul3A_496, %add3A_497 : i32
        %get3A_499 = arith.constant 0 : i32
        %get3A_500 = arith.constant 0 : i32
        %get3A_501 = tpu.memref_slice %arg7[%scan3A_326, %get3A_499, %get3A_500] : memref<2x200x64xf32, #tpu.memory_space<vmem>> -> memref<1x200x64xf32, #tpu.memory_space<vmem>>
        %get3A_502 = tpu.memref_squeeze %get3A_501 : memref<1x200x64xf32, #tpu.memory_space<vmem>> -> memref<200x64xf32, #tpu.memory_space<vmem>>
        %get3A_503 = arith.index_cast %add3A_498 : i32 to index
        %get3A_504 = arith.constant 0 : index
        %get3A_505 = tpu.vector_load %get3A_502[%get3A_503, %get3A_504] {strides = array<i32>} : memref<200x64xf32, #tpu.memory_space<vmem>>, vector<1x16xf32>,
        %get3A_506 = vector.shape_cast %get3A_505 : vector<1x16xf32> to vector<16xf32>
        %get3A_507 = arith.constant 0 : i32
        %get3A_508 = arith.constant 0 : i32
        %get3A_509 = tpu.memref_slice %arg7[%scan3A_326, %get3A_507, %get3A_508] : memref<2x200x64xf32, #tpu.memory_space<vmem>> -> memref<1x200x64xf32, #tpu.memory_space<vmem>>
        %get3A_510 = tpu.memref_squeeze %get3A_509 : memref<1x200x64xf32, #tpu.memory_space<vmem>> -> memref<200x64xf32, #tpu.memory_space<vmem>>
        %get3A_511 = arith.index_cast %add3A_498 : i32 to index
        %get3A_512 = arith.constant 16 : index
        %get3A_513 = tpu.vector_load %get3A_510[%get3A_511, %get3A_512] {strides = array<i32>} : memref<200x64xf32, #tpu.memory_space<vmem>>, vector<1x16xf32>,
        %get3A_514 = vector.shape_cast %get3A_513 : vector<1x16xf32> to vector<16xf32>
        %get3A_515 = arith.constant 0 : i32
        %get3A_516 = arith.constant 0 : i32
        %get3A_517 = tpu.memref_slice %arg7[%scan3A_326, %get3A_515, %get3A_516] : memref<2x200x64xf32, #tpu.memory_space<vmem>> -> memref<1x200x64xf32, #tpu.memory_space<vmem>>
        %get3A_518 = tpu.memref_squeeze %get3A_517 : memref<1x200x64xf32, #tpu.memory_space<vmem>> -> memref<200x64xf32, #tpu.memory_space<vmem>>
        %get3A_519 = arith.index_cast %add3A_498 : i32 to index
        %get3A_520 = arith.constant 32 : index
        %get3A_521 = tpu.vector_load %get3A_518[%get3A_519, %get3A_520] {strides = array<i32>} : memref<200x64xf32, #tpu.memory_space<vmem>>, vector<1x16xf32>,
        %get3A_522 = vector.shape_cast %get3A_521 : vector<1x16xf32> to vector<16xf32>
        %get3A_523 = arith.constant 0 : i32
        %get3A_524 = arith.constant 0 : i32
        %get3A_525 = tpu.memref_slice %arg7[%scan3A_326, %get3A_523, %get3A_524] : memref<2x200x64xf32, #tpu.memory_space<vmem>> -> memref<1x200x64xf32, #tpu.memory_space<vmem>>
        %get3A_526 = tpu.memref_squeeze %get3A_525 : memref<1x200x64xf32, #tpu.memory_space<vmem>> -> memref<200x64xf32, #tpu.memory_space<vmem>>
        %get3A_527 = arith.index_cast %add3A_498 : i32 to index
        %get3A_528 = arith.constant 48 : index
        %get3A_529 = tpu.vector_load %get3A_526[%get3A_527, %get3A_528] {strides = array<i32>} : memref<200x64xf32, #tpu.memory_space<vmem>>, vector<1x16xf32>,
        %get3A_530 = vector.shape_cast %get3A_529 : vector<1x16xf32> to vector<16xf32>
        %get3A_531 = arith.constant 0 : i32
        %get3A_532 = arith.constant 0 : i32
        %get3A_533 = tpu.memref_slice %arg8[%scan3A_327, %get3A_531, %get3A_532] : memref<2x200x64xf32, #tpu.memory_space<vmem>> -> memref<1x200x64xf32, #tpu.memory_space<vmem>>
        %get3A_534 = tpu.memref_squeeze %get3A_533 : memref<1x200x64xf32, #tpu.memory_space<vmem>> -> memref<200x64xf32, #tpu.memory_space<vmem>>
        %get3A_535 = arith.index_cast %add3A_498 : i32 to index
        %get3A_536 = arith.constant 0 : index
        %get3A_537 = tpu.vector_load %get3A_534[%get3A_535, %get3A_536] {strides = array<i32>} : memref<200x64xf32, #tpu.memory_space<vmem>>, vector<1x16xf32>,
        %get3A_538 = vector.shape_cast %get3A_537 : vector<1x16xf32> to vector<16xf32>
        %get3A_539 = arith.constant 0 : i32
        %get3A_540 = arith.constant 0 : i32
        %get3A_541 = tpu.memref_slice %arg8[%scan3A_327, %get3A_539, %get3A_540] : memref<2x200x64xf32, #tpu.memory_space<vmem>> -> memref<1x200x64xf32, #tpu.memory_space<vmem>>
        %get3A_542 = tpu.memref_squeeze %get3A_541 : memref<1x200x64xf32, #tpu.memory_space<vmem>> -> memref<200x64xf32, #tpu.memory_space<vmem>>
        %get3A_543 = arith.index_cast %add3A_498 : i32 to index
        %get3A_544 = arith.constant 16 : index
        %get3A_545 = tpu.vector_load %get3A_542[%get3A_543, %get3A_544] {strides = array<i32>} : memref<200x64xf32, #tpu.memory_space<vmem>>, vector<1x16xf32>,
        %get3A_546 = vector.shape_cast %get3A_545 : vector<1x16xf32> to vector<16xf32>
        %get3A_547 = arith.constant 0 : i32
        %get3A_548 = arith.constant 0 : i32
        %get3A_549 = tpu.memref_slice %arg8[%scan3A_327, %get3A_547, %get3A_548] : memref<2x200x64xf32, #tpu.memory_space<vmem>> -> memref<1x200x64xf32, #tpu.memory_space<vmem>>
        %get3A_550 = tpu.memref_squeeze %get3A_549 : memref<1x200x64xf32, #tpu.memory_space<vmem>> -> memref<200x64xf32, #tpu.memory_space<vmem>>
        %get3A_551 = arith.index_cast %add3A_498 : i32 to index
        %get3A_552 = arith.constant 32 : index
        %get3A_553 = tpu.vector_load %get3A_550[%get3A_551, %get3A_552] {strides = array<i32>} : memref<200x64xf32, #tpu.memory_space<vmem>>, vector<1x16xf32>,
        %get3A_554 = vector.shape_cast %get3A_553 : vector<1x16xf32> to vector<16xf32>
        %get3A_555 = arith.constant 0 : i32
        %get3A_556 = arith.constant 0 : i32
        %get3A_557 = tpu.memref_slice %arg8[%scan3A_327, %get3A_555, %get3A_556] : memref<2x200x64xf32, #tpu.memory_space<vmem>> -> memref<1x200x64xf32, #tpu.memory_space<vmem>>
        %get3A_558 = tpu.memref_squeeze %get3A_557 : memref<1x200x64xf32, #tpu.memory_space<vmem>> -> memref<200x64xf32, #tpu.memory_space<vmem>>
        %get3A_559 = arith.index_cast %add3A_498 : i32 to index
        %get3A_560 = arith.constant 48 : index
        %get3A_561 = tpu.vector_load %get3A_558[%get3A_559, %get3A_560] {strides = array<i32>} : memref<200x64xf32, #tpu.memory_space<vmem>>, vector<1x16xf32>,
        %get3A_562 = vector.shape_cast %get3A_561 : vector<1x16xf32> to vector<16xf32>
        %mul3A_563 = arith.mulf %get3A_506, %get3A_506 : vector<16xf32>
        %mul3A_564 = arith.mulf %get3A_514, %get3A_514 : vector<16xf32>
        %add3A_565 = arith.addf %mul3A_563, %mul3A_564 : vector<16xf32>
        %mul3A_566 = arith.mulf %get3A_522, %get3A_522 : vector<16xf32>
        %add3A_567 = arith.addf %add3A_565, %mul3A_566 : vector<16xf32>
        %mul3A_568 = arith.mulf %get3A_530, %get3A_530 : vector<16xf32>
        %add3A_569 = arith.addf %add3A_567, %mul3A_568 : vector<16xf32>
        %broadcast_in_dim3A_570 = vector.shape_cast %and3A_9 : vector<16xi32> to vector<16x1xi32>
        %gather3A_571 = vector.shape_cast %broadcast_in_dim3A_570 : vector<16x1xi32> to vector<16xi32>
        %gather3A_572 = tpu.dynamic_gather %add3A_569[%gather3A_571] in [0] : vector<16xf32>, vector<16xi32> -> vector<16xf32>
        %add3A_573 = arith.addf %add3A_569, %gather3A_572 : vector<16xf32>
        %broadcast_in_dim3A_574 = vector.shape_cast %and3A_16 : vector<16xi32> to vector<16x1xi32>
        %gather3A_575 = vector.shape_cast %broadcast_in_dim3A_574 : vector<16x1xi32> to vector<16xi32>
        %gather3A_576 = tpu.dynamic_gather %add3A_573[%gather3A_575] in [0] : vector<16xf32>, vector<16xi32> -> vector<16xf32>
        %add3A_577 = arith.addf %add3A_573, %gather3A_576 : vector<16xf32>
        %broadcast_in_dim3A_578 = vector.shape_cast %and3A_23 : vector<16xi32> to vector<16x1xi32>
        %gather3A_579 = vector.shape_cast %broadcast_in_dim3A_578 : vector<16x1xi32> to vector<16xi32>
        %gather3A_580 = tpu.dynamic_gather %add3A_577[%gather3A_579] in [0] : vector<16xf32>, vector<16xi32> -> vector<16xf32>
        %add3A_581 = arith.addf %add3A_577, %gather3A_580 : vector<16xf32>
        %broadcast_in_dim3A_582 = vector.shape_cast %and3A_30 : vector<16xi32> to vector<16x1xi32>
        %gather3A_583 = vector.shape_cast %broadcast_in_dim3A_582 : vector<16x1xi32> to vector<16xi32>
        %gather3A_584 = tpu.dynamic_gather %add3A_581[%gather3A_583] in [0] : vector<16xf32>, vector<16xi32> -> vector<16xf32>
        %add3A_585 = arith.addf %add3A_581, %gather3A_584 : vector<16xf32>
        %mul3A_586 = arith.mulf %get3A_538, %get3A_506 : vector<16xf32>
        %mul3A_587 = arith.mulf %get3A_546, %get3A_514 : vector<16xf32>
        %add3A_588 = arith.addf %mul3A_586, %mul3A_587 : vector<16xf32>
        %mul3A_589 = arith.mulf %get3A_554, %get3A_522 : vector<16xf32>
        %add3A_590 = arith.addf %add3A_588, %mul3A_589 : vector<16xf32>
        %mul3A_591 = arith.mulf %get3A_562, %get3A_530 : vector<16xf32>
        %add3A_592 = arith.addf %add3A_590, %mul3A_591 : vector<16xf32>
        %broadcast_in_dim3A_593 = vector.shape_cast %and3A_9 : vector<16xi32> to vector<16x1xi32>
        %gather3A_594 = vector.shape_cast %broadcast_in_dim3A_593 : vector<16x1xi32> to vector<16xi32>
        %gather3A_595 = tpu.dynamic_gather %add3A_592[%gather3A_594] in [0] : vector<16xf32>, vector<16xi32> -> vector<16xf32>
        %add3A_596 = arith.addf %add3A_592, %gather3A_595 : vector<16xf32>
        %broadcast_in_dim3A_597 = vector.shape_cast %and3A_16 : vector<16xi32> to vector<16x1xi32>
        %gather3A_598 = vector.shape_cast %broadcast_in_dim3A_597 : vector<16x1xi32> to vector<16xi32>
        %gather3A_599 = tpu.dynamic_gather %add3A_596[%gather3A_598] in [0] : vector<16xf32>, vector<16xi32> -> vector<16xf32>
        %add3A_600 = arith.addf %add3A_596, %gather3A_599 : vector<16xf32>
        %broadcast_in_dim3A_601 = vector.shape_cast %and3A_23 : vector<16xi32> to vector<16x1xi32>
        %gather3A_602 = vector.shape_cast %broadcast_in_dim3A_601 : vector<16x1xi32> to vector<16xi32>
        %gather3A_603 = tpu.dynamic_gather %add3A_600[%gather3A_602] in [0] : vector<16xf32>, vector<16xi32> -> vector<16xf32>
        %add3A_604 = arith.addf %add3A_600, %gather3A_603 : vector<16xf32>
        %broadcast_in_dim3A_605 = vector.shape_cast %and3A_30 : vector<16xi32> to vector<16x1xi32>
        %gather3A_606 = vector.shape_cast %broadcast_in_dim3A_605 : vector<16x1xi32> to vector<16xi32>
        %gather3A_607 = tpu.dynamic_gather %add3A_604[%gather3A_606] in [0] : vector<16xf32>, vector<16xi32> -> vector<16xf32>
        %add3A_608 = arith.addf %add3A_604, %gather3A_607 : vector<16xf32>
        %max3A_609 = arith.constant 1.000000e-24 : f32
        %max3A_610 = vector.broadcast %max3A_609 : f32 to vector<16xf32>
        %max3A_611 = arith.maximumf %add3A_585, %max3A_610 : vector<16xf32>
        %div3A_612 = arith.divf %add3A_608, %max3A_611 : vector<16xf32>
        %mul3A_613 = arith.mulf %div3A_612, %get3A_506 : vector<16xf32>
        %sub3A_614 = arith.subf %get3A_538, %mul3A_613 : vector<16xf32>
        %add3A_615 = arith.addf %add3A_485, %sub3A_614 : vector<16xf32>
        %mul3A_616 = arith.mulf %div3A_612, %get3A_514 : vector<16xf32>
        %sub3A_617 = arith.subf %get3A_546, %mul3A_616 : vector<16xf32>
        %add3A_618 = arith.addf %add3A_488, %sub3A_617 : vector<16xf32>
        %mul3A_619 = arith.mulf %div3A_612, %get3A_522 : vector<16xf32>
        %sub3A_620 = arith.subf %get3A_554, %mul3A_619 : vector<16xf32>
        %add3A_621 = arith.addf %add3A_491, %sub3A_620 : vector<16xf32>
        %mul3A_622 = arith.mulf %div3A_612, %get3A_530 : vector<16xf32>
        %sub3A_623 = arith.subf %get3A_562, %mul3A_622 : vector<16xf32>
        %add3A_624 = arith.addf %add3A_494, %sub3A_623 : vector<16xf32>
        scf.yield %add3A_615, %add3A_618, %add3A_621, %add3A_624 : vector<16xf32>, vector<16xf32>, vector<16xf32>, vector<16xf32>
      }
      %scan3A_333 = arith.constant 100 : i32
      %mul3A_334 = arith.constant 5.000000e-03 : f32
      %mul3A_335 = vector.broadcast %mul3A_334 : f32 to vector<16xf32>
      %mul3A_336 = arith.mulf %scan3A_332#0, %mul3A_335 : vector<16xf32>
      %swap3A_337 = arith.constant 0 : index
      %swap3A_338 = tpu.vector_load %arg9[%swap3A_337] {strides = array<i32>} : memref<64xf32, #tpu.memory_space<vmem>>, vector<16xf32>,
      %swap3A_339 = vector.shape_cast %swap3A_338 : vector<16xf32> to vector<16xf32>
      %swap3A_340 = vector.shape_cast %mul3A_336 : vector<16xf32> to vector<16xf32>
      tpu.vector_store %arg9[%swap3A_337], %swap3A_340 {strides = array<i32>} : memref<64xf32, #tpu.memory_space<vmem>>, vector<16xf32>,
      %mul3A_341 = arith.constant 5.000000e-03 : f32
      %mul3A_342 = vector.broadcast %mul3A_341 : f32 to vector<16xf32>
      %mul3A_343 = arith.mulf %scan3A_332#1, %mul3A_342 : vector<16xf32>
      %swap3A_344 = arith.constant 16 : index
      %swap3A_345 = tpu.vector_load %arg9[%swap3A_344] {strides = array<i32>} : memref<64xf32, #tpu.memory_space<vmem>>, vector<16xf32>,
      %swap3A_346 = vector.shape_cast %swap3A_345 : vector<16xf32> to vector<16xf32>
      %swap3A_347 = vector.shape_cast %mul3A_343 : vector<16xf32> to vector<16xf32>
      tpu.vector_store %arg9[%swap3A_344], %swap3A_347 {strides = array<i32>} : memref<64xf32, #tpu.memory_space<vmem>>, vector<16xf32>,
      %mul3A_348 = arith.constant 5.000000e-03 : f32
      %mul3A_349 = vector.broadcast %mul3A_348 : f32 to vector<16xf32>
      %mul3A_350 = arith.mulf %scan3A_332#2, %mul3A_349 : vector<16xf32>
      %swap3A_351 = arith.constant 32 : index
      %swap3A_352 = tpu.vector_load %arg9[%swap3A_351] {strides = array<i32>} : memref<64xf32, #tpu.memory_space<vmem>>, vector<16xf32>,
      %swap3A_353 = vector.shape_cast %swap3A_352 : vector<16xf32> to vector<16xf32>
      %swap3A_354 = vector.shape_cast %mul3A_350 : vector<16xf32> to vector<16xf32>
      tpu.vector_store %arg9[%swap3A_351], %swap3A_354 {strides = array<i32>} : memref<64xf32, #tpu.memory_space<vmem>>, vector<16xf32>,
      %mul3A_355 = arith.constant 5.000000e-03 : f32
      %mul3A_356 = vector.broadcast %mul3A_355 : f32 to vector<16xf32>
      %mul3A_357 = arith.mulf %scan3A_332#3, %mul3A_356 : vector<16xf32>
      %swap3A_358 = arith.constant 48 : index
      %swap3A_359 = tpu.vector_load %arg9[%swap3A_358] {strides = array<i32>} : memref<64xf32, #tpu.memory_space<vmem>>, vector<16xf32>,
      %swap3A_360 = vector.shape_cast %swap3A_359 : vector<16xf32> to vector<16xf32>
      %swap3A_361 = vector.shape_cast %mul3A_357 : vector<16xf32> to vector<16xf32>
      tpu.vector_store %arg9[%swap3A_358], %swap3A_361 {strides = array<i32>} : memref<64xf32, #tpu.memory_space<vmem>>, vector<16xf32>,
      %mul3A_362 = arith.constant 64 : i32
      %mul3A_363 = arith.muli %add3A_323, %mul3A_362 : i32
      "tpu.region"() ({
        %run_scoped3A = tpu.sem_alloc : memref<!tpu.dma_semaphore, #tpu.memory_space<semaphore_mem>>
        %dma_start3A_365 = tpu.memref_slice %arg5[%mul3A_363] : memref<262144xf32, #tpu.memory_space<hbm>> -> memref<64xf32, #tpu.memory_space<hbm>>
        %dma_start3A_366 = tpu.memref_slice %arg5[%mul3A_363] : memref<262144xf32, #tpu.memory_space<hbm>> -> memref<64xf32, #tpu.memory_space<hbm>>
        tpu.enqueue_dma source(%arg9 : memref<64xf32, #tpu.memory_space<vmem>>) target(%dma_start3A_366 : memref<64xf32, #tpu.memory_space<hbm>>) target_semaphore(%run_scoped3A : memref<!tpu.dma_semaphore, #tpu.memory_space<semaphore_mem>>)
        %dma_wait3A_367 = tpu.memref_slice %arg5[%mul3A_363] : memref<262144xf32, #tpu.memory_space<hbm>> -> memref<64xf32, #tpu.memory_space<hbm>>
        %dma_wait3A_368 = tpu.memref_slice %arg5[%mul3A_363] : memref<262144xf32, #tpu.memory_space<hbm>> -> memref<64xf32, #tpu.memory_space<hbm>>
        tpu.wait_dma2 semaphore(%run_scoped3A : memref<!tpu.dma_semaphore, #tpu.memory_space<semaphore_mem>>) src(%arg9 : memref<64xf32, #tpu.memory_space<vmem>>) dst(%dma_wait3A_368 : memref<64xf32, #tpu.memory_space<hbm>>)
        tpu.yield
      }) : () -> ()
      %scan3A_364 = arith.constant 0 : i32
      scf.yield %scan3A_364 : i32
    }
    %scan3A_89 = arith.constant 64 : i32
    return
  }
}

</mosaic_0001>

<sc_bundles>
// kernel: _run.3.cloned.1.call-start
scs
__scs_entry_jumppad:
0x0: {  	(pc) =	sbr.rel $0x88, $3  }
0x1: {  	(tag) =	ssettag $0x0;
	lr =	simm.s32 $0x1  }
0x2: {  	[smem:$0x3F9E] =	sst lr;
	_ =	strace $0xD0000000  }
0x3: {  	_ = 	snop  }
0x4: {  	_ = 	snop  }
0x5: {  	_ = 	snop  }
0x6: {  	_ = 	snop  }
0x7: {  	_ = 	snop  }
__scs_overlays_trampoline_lowered:
0x8: {  	[smem:$0x3FAD] =	sst s0  }
0x9: {  	[smem:$0x3FAE] =	sst s1  }
0xa: {  	[smem:$0x3FAF] =	sst s2  }
0xb: {  	[smem:$0x3FB0] =	sst s3  }
0xc: {  	[smem:$0x3FB1] =	sst s4  }
0xd: {  	[smem:$0x3FB2] =	sst s5  }
0xe: {  	[smem:$0x3FB3] =	sst s6  }
0xf: {  	[smem:$0x3FB4] =	sst s7  }
0x10: {  	[smem:$0x3FB5] =	sst s8  }
0x11: {  	[smem:$0x3FB6] =	sst s9;
	s0 =	simm.s32 @!p0 $0x0  }
0x12: {  	s1 =	sld [smem:$0x3F9C];
	s0 =	simm.s32 @p0 $0x1  }
0x13: {  	[smem:$0x3FB7] =	sst s0;
	s0 =	simm.s32 @!p1 $0x0  }
0x14: {  	s2 =	sld [smem:$0x3F9B];
	s0 =	simm.s32 @p1 $0x1  }
0x15: {  	[smem:$0x3FB8] =	sst s0;
	s0 =	simm.s32 @!p2 $0x0  }
0x16: {  	s3 =	sld [smem:$0x3FDB];
	s0 =	simm.s32 @p2 $0x1  }
0x17: {  	s4 =	simm.s32 $0x1BF5;
	[smem:$0x3FBA] =	sst s0  }
0x18: {  	s0 =	sld [smem:$0x3F9D];
	_ =	swait.ge [sflag:s4], $0x0  }
0x19: {  	s7 =	sld [smem:$0x3F9E]  }
0x1a: {  	s8 =	sadd.s32 $0xFFFFE003, lr  }
0x1b: {  	s9 =	sadd.s32 $0xFFFFFEF7, lr;
	s5 =	simm.s32 $0xFFFFFFFF;
	p2 =	slt.u32 s8, $0xFFFFF086  }
0x1c: {  	p1 =	slt.u32 s9, $0xF7A;
	s5 =	simm.s32 @!p2 $0x0  }
0x1d: {  	s5 =	simm.s32 @p1 $0x1;
	p0 =	seq.s32 s7, s2  }
0x1e: {  	s7 =	smul.u32 @!p0 $0xF7A, s2;
	p2 =	seq.s32 @!p0 s5, $0x0  }
0x1f: {  	s9 =	smul.u32 $0xF7A, s1;
	s8 =	simm.s32 @!p0 $0x1BF5;
	p2 =	por !p2, p0  }
0x20: {  	[sflag:s8] =	ssyncset.s32 @!p0 $0xFFFFF086;
	s6 =	sadd.s32 @!p0 s3, s7;
	s7 =	simm.s32 @!p0 $0x108  }
0x21: {  	s3 =	sadd.s32 s3, s9;
	s6 =	sadd.s32 @!p0 $0x88, s6;
	s7 =	simm.s32 @p2 $0x1082  }
0x22: {  	[simem:s7], [sflag:s8] =	dma.local @!p0 [hbm:s6], $0xF7A  }
0x23: {  	s9 =	sor.u32 $0xD0000000, s2;
	s6 =	simm.s32 $0x108;
	_ =	swait.ge @!p0 [sflag:s8], $0x0  }
0x24: {  	s3 =	sadd.s32 $0x88, s3;
	s6 =	simm.s32 @!p1 $0x1082;
	[sflag:s4] =	ssyncset.s32 $0xFFFFF086  }
0x25: {  	[simem:s6], [sflag:s4] =	dma.local [hbm:s3], $0xF7A  }
0x26: {  	[smem:$0x3F9E] =	sst s1;
	(tag) =	ssettag s2;
	_ =	strace s9  }
0x27: {  	s1 =	sld [smem:$0x3FAE]  }
0x28: {  	s2 =	sld [smem:$0x3FAF]  }
0x29: {  	s4 =	sld [smem:$0x3FB1]  }
0x2a: {  	p0 =	seq.s32 s5, $0x0;
	s5 =	sld [smem:$0x3FB2]  }
0x2b: {  	s6 =	sld [smem:$0x3FB3]  }
0x2c: {  	s7 =	sld [smem:$0x3FB4]  }
0x2d: {  	s3 =	simm.s32 $0x108;
	s8 =	sld [smem:$0x3FB5]  }
0x2e: {  	s3 =	simm.s32 @!p0 $0x1082;
	s9 =	sld [smem:$0x3FB6]  }
0x2f: {  	lr =	sadd.s32 s0, s3;
	s0 =	sld [smem:$0x3FAD]  }
0x30: {  	s3 =	sld [smem:$0x3FB0]  }
0x31: {  	[smem:$0x3FB9] =	sst s10  }
0x32: {  	s10 =	sld [smem:$0x3FB7];
	_ =	sdelay $0x3  }
0x33: {  	p0 =	seq.s32 s10, $0x1;
	s10 =	sld [smem:$0x3FB9];
	_ =	sdelay $0x3  }
0x34: {  	[smem:$0x3FB9] =	sst s10  }
0x35: {  	s10 =	sld [smem:$0x3FB8];
	_ =	sdelay $0x3  }
0x36: {  	p1 =	seq.s32 s10, $0x1;
	s10 =	sld [smem:$0x3FB9];
	_ =	sdelay $0x3  }
0x37: {  	[smem:$0x3FB9] =	sst s10  }
0x38: {  	s10 =	sld [smem:$0x3FBA]  }
0x39: {  	_ = 	snop;
	(pc) =	sbr.ind lr, $3  }
0x3a: {  	_ = 	snop  }
0x3b: {  	_ = 	snop  }
0x3c: {  	p2 =	seq.s32 s10, $0x1;
	s10 =	sld [smem:$0x3FB9]  }
0x3d: {  	_ =	shalt  }
0x3e: {  	_ =	shalt  }
0x3f: {  	_ =	shalt  }
0x40: {  	_ =	shalt  }
0x41: {  	_ =	shalt  }
0x42: {  	_ =	shalt  }
0x43: {  	_ =	shalt  }
0x44: {  	_ =	shalt  }
0x45: {  	_ =	shalt  }
0x46: {  	_ =	shalt  }
0x47: {  	_ =	shalt  }
0x48: {  	_ =	shalt  }
0x49: {  	_ =	shalt  }
0x4a: {  	_ =	shalt  }
0x4b: {  	_ =	shalt  }
0x4c: {  	_ =	shalt  }
0x4d: {  	_ =	shalt  }
0x4e: {  	_ =	shalt  }
0x4f: {  	_ =	shalt  }
0x50: {  	_ =	shalt  }
0x51: {  	_ =	shalt  }
0x52: {  	_ =	shalt  }
0x53: {  	_ =	shalt  }
0x54: {  	_ =	shalt  }
0x55: {  	_ =	shalt  }
0x56: {  	_ =	shalt  }
0x57: {  	_ =	shalt  }
0x58: {  	_ =	shalt  }
0x59: {  	_ =	shalt  }
0x5a: {  	_ =	shalt  }
0x5b: {  	_ =	shalt  }
0x5c: {  	_ =	shalt  }
0x5d: {  	_ =	shalt  }
0x5e: {  	_ =	shalt  }
0x5f: {  	_ =	shalt  }
0x60: {  	_ =	shalt  }
0x61: {  	_ =	shalt  }
0x62: {  	_ =	shalt  }
0x63: {  	_ =	shalt  }
0x64: {  	_ =	shalt  }
0x65: {  	_ =	shalt  }
0x66: {  	_ =	shalt  }
0x67: {  	_ =	shalt  }
0x68: {  	_ =	shalt  }
0x69: {  	_ =	shalt  }
0x6a: {  	_ =	shalt  }
0x6b: {  	_ =	shalt  }
0x6c: {  	_ =	shalt  }
0x6d: {  	_ =	shalt  }
0x6e: {  	_ =	shalt  }
0x6f: {  	_ =	shalt  }
0x70: {  	_ =	shalt  }
0x71: {  	_ =	shalt  }
0x72: {  	_ =	shalt  }
0x73: {  	_ =	shalt  }
0x74: {  	_ =	shalt  }
0x75: {  	_ =	shalt  }
0x76: {  	_ =	shalt  }
0x77: {  	_ =	shalt  }
0x78: {  	_ =	shalt  }
0x79: {  	_ =	shalt  }
0x7a: {  	_ =	shalt  }
0x7b: {  	_ =	shalt  }
0x7c: {  	_ =	shalt  }
0x7d: {  	_ =	shalt  }
0x7e: {  	_ =	shalt  }
0x7f: {  	_ =	shalt  }
0x80: {  	_ =	shalt  }
0x81: {  	_ =	shalt  }
0x82: {  	_ =	shalt  }
0x83: {  	_ =	shalt  }
0x84: {  	_ =	shalt  }
0x85: {  	_ =	shalt  }
0x86: {  	_ =	shalt  }
0x87: {  	_ =	shalt  }
.Lfunc_end0:
.L_simem_size_0:
called_computation_lowered:
.L_overlay_start_0:
0x88: {  	s2 =	sld [smem:$0x3FD9]  }
0x89: {  	s3 =	sld [smem:$0x3FFE];
	_ =	sdelay $0x1  }
0x8a: {  	s1 =	srdreg.scid  }
0x8b: {  	s0 =	sand.u32 $0x1, s1  }
0x8c: {  	s17 =	sshll.u32 s0, $0xA;
	s2 =	sadd.s32 s3, s2  }
0x8d: {  	s2 =	sadd.s32 s2, s17  }
0x8e: {  	[smem:$0x3FC5] =	sst s2  }
0x8f: {  	_ = 	snop  }
0x90: {  	s2 =	sld [smem:$0x3FC9]  }
0x91: {  	s18 =	sld [smem:$0x3FD0];
	(tm) =	ssettm $0x1  }
0x92: {  	s4 =	sld [smem:$0x3FFB];
	_ =	sdelay $0x3  }
0x93: {  	_ =	strace s4  }
0x94: {  	s4 =	sld [smem:$0x3FFC];
	_ =	sdelay $0x3  }
0x95: {  	_ =	strace s4  }
0x96: {  	s4 =	sld [smem:$0x3FFD];
	_ =	sdelay $0x3  }
0x97: {  	_ =	strace s4  }
0x98: {  	_ =	strace $0x8FFFFFFF  }
0x99: {  	s19 =	sld [smem:$0x3FDB];
	_ =	sdelay $0x1  }
0x9a: {  	s5 =	simm.s32 $_scs_section_size  }
0x9b: {  	s6 =	simm.s32 $_size__tile_overlayer_lowered;
	s7 =	simm.s32 $_tile_overlayer_lowered  }
0x9c: {  	s22 =	simm.s32 $0x1BFF;
	s21 =	sshll.u32 s7, $0x1;
	s4 =	sadd.s32 s5, s19  }
0x9d: {  	s8 =	simm.s32 $0x0;
	s20 =	sshll.u32 s6, $0x1;
	s6 =	sadd.s32 s21, s4  }
0x9e: {  	[timem:s8], [sflag:s22] =	dma.local [hbm:s6], s20  }
0x9f: {  	_ =	swait.ge [sflag:s22], s20  }
0xa0: {  	s5 =	ssub.s32 $0x0, s20;
	[sflag:s22] =	ssyncset.done $0x0  }
0xa1: {  	[sflag:s22] =	ssyncadd.s32 s5;
	_ =	sdelay $0x1  }
0xa2: {  	s23 =	simm.s32 $0x1B8B  }
0xa3: {  	_ =	swait.ge [sflag:s23], $0x1  }
0xa4: {  	[sflag:s23] =	ssyncset.done $0x0  }
0xa5: {  	s25 =	simm.s32 $0x1B8E;
	s24 =	sld [smem:$0x3FFE];
	[sflag:s23] =	ssyncadd.s32 $0xFFFFFFFF  }
0xa6: {  	s26 =	simm.s32 $execute0_lowered;
	[smem:$0x3FD2] =	sst s25  }
0xa7: {  	s6 =	sshll.u32 s26, $0x1;
	_ =	strace $0x80000046;
	[dreg:$0x1] =	wrdreg $0xFFFFFFFF  }
0xa8: {  	s28 =	simm.s32 $_size_execute0_lowered;
	s4 =	sadd.s32 s4, s6;
	[dreg:$0x0] =	wrdreg $0x0  }
0xa9: {  	s6 =	sshll.u32 s28, $0x1;
	[dreg:$0x2] =	wrdreg s4  }
0xaa: {  	[dreg:$0x3] =	wrdreg s6  }
0xab: {  	[dreg:$0x4] =	wrdreg $0xC0  }
0xac: {  	_ =	task [dreg:s8], $0x5FFFF  }
0xad: {  	[dreg:$0x1] =	wrdreg $0xFFFFFFFF  }
0xae: {  	[dreg:$0x0] =	wrdreg $0x60  }
0xaf: {  	[dreg:$0x2] =	wrdreg s2  }
0xb0: {  	[dreg:$0x3] =	wrdreg s24  }
0xb1: {  	[dreg:$0x4] =	wrdreg s18  }
0xb2: {  	[dreg:$0x5] =	wrdreg $0x9  }
0xb3: {  	_ =	task.clear_ibuf [dreg:s8], $0x6FFFF;
	_ =	strace $0x90000046  }
0xb4: {  	s29 =	simm.s32 $0x9;
	_ =	strace $0x80000048  }
0xb5: {  	_ =	swait.ge [sflag:s29], $0x1  }
0xb6: {  	[sflag:s29] =	ssyncadd.s32 $0xFFFFFFFF  }
0xb7: {  	_ =	strace $0x90000048  }
0xb8: {  	_ =	sfence  }
0xb9: {  	s30 =	sld [smem:$0x0];
	_ =	sdelay $0x2  }
0xba: {  	s31 =	sshll.u32 s1, $0xD;
	s1 =	sshrl.u32 s1, $0x2  }
0xbb: {  	s3 =	sand.u32 $0x4000, s31;
	s1 =	sadd.s32 s1, s30  }
0xbc: {  	s0 =	sor.u32 s3, s0;
	s1 =	sshll.u32 s1, $0x11  }
0xbd: {  	s0 =	sor.u32 s1, s0  }
0xbe: {  	s0 =	sadd.s32 $0x8F2B, s0  }
0xbf: {  	[sflag:s0] =	ssyncadd.remote.s32 $0x1  }
0xc0: {  	_ =	sfence.sel $0xFFFF  }
0xc1: {  	[dreg:$0x0] =	wrdreg $0xFFFFFFFF;
	(pc) =	sbr.abs _section_cstart, $3  }
0xc2: {  	[dreg:$0x1] =	wrdreg $0xFFFFFFFF  }
0xc3: {  	_ =	task.clear_ibuf [dreg:s8], $0x2FFFF;
	_ =	strace $0x9FFFFFFF  }
0xc4: {  	(tm) =	ssettm $0x7FFFFFFF  }
0xc5: {  	_ =	shalt  }
tec
execute0_lowered:
.L_overlay_start_1:
0x0: {  	(tag) =	ssettag $0x1  }
0x1: {  	s7 =	rddreg [dreg:$0x0]  }
0x2: {  	s5 =	rddreg [dreg:$0x1]  }
0x3: {  	s1 =	rddreg [dreg:$0x2];
	v0 =	vimm.s32 $0xFEDCBA98;
	v1 =	vimm.s32 $0x76543210;
	v2 =	vimm.s32 $0x3210FEDC  }
0x4: {  	s0 =	rddreg [dreg:$0x3];
	s2 =	simm.s32 $0x0;
	s4 =	srdreg.scid;
	v3 =	vimm.s32 $0xBA987654;
	v4 =	vimm.s32 $0x10FEDCBA;
	v5 =	vimm.s32 $0x98765432  }
0x5: {  	s3 =	stileid.u32;
	v6 =	vimm.s32 $0xFEDCBA9;
	v7 =	vimm.s32 $0x87654321;
	s12 =	simm.s32 $0x6400;
	s13 =	simm.s32 $0x60  }
0x6: {  	s14 =	simm.s32 $0x7E00;
	s15 =	simm.s32 $0xC800;
	s16 =	simm.s32 $0x1;
	v0 =	vunpack.c.l.s4.s8 v0;
	v1 =	vunpack.c.l.s4.s8 v1;
	v2 =	vunpack.c.l.s4.s8 v2  }
0x7: {  	s17 =	simm.s32 $0x9600;
	s18 =	simm.s32 $0xB000;
	s19 =	simm.s32 $0xFA00;
	v3 =	vunpack.c.l.s4.s8 v3;
	v4 =	vunpack.c.l.s4.s8 v4;
	v5 =	vunpack.c.l.s4.s8 v5  }
0x8: {  	s20 =	simm.s32 $0x12C00;
	s6 =	sand.u32 $0x1, s4;
	s31 =	sshll.u32 s3, $0x1;
	v6 =	vunpack.c.l.s4.s8 v6;
	v7 =	vunpack.c.l.s4.s8 v7;
	v0 =	vunpack.c.0.s8.s32 v0  }
0x9: {  	s21 =	simm.s32 $0x2;
	s22 =	simm.s32 $0x0;
	s8 =	sor.u32 s6, s31;
	v2 =	vunpack.c.0.s8.s32 v2;
	v3 =	vunpack.c.0.s8.s32 v3;
	v4 =	vunpack.c.0.s8.s32 v4  }
0xa: {  	[smem:$0x7FF] =	sst s2;
	s6 =	ssub.s32 $0x2, s6;
	s9 =	smul.u32 $0xC80, s8;
	v5 =	vunpack.c.0.s8.s32 v5;
	v6 =	vunpack.c.0.s8.s32 v6;
	v7 =	vunpack.c.0.s8.s32 v7  }
0xb: {  	s4 =	sadd.s32 $0xC80400, s5;
	s10 =	sshrl.u32 s6, $0x1;
	s11 =	smul.u32 $0x32000, s8;
	v1 =	vunpack.c.0.s8.s32 v1;
	v2 =	vcombine.low v3, v2  }
0xc: {  	s5 =	sadd.s32 $0x30DA00, s5;
	_ =	strace $0x80000047;
	s10 =	ssub.s32 s6, s10;
	v3 =	vcombine.low v5, v4;
	v4 =	vcombine.low v7, v6;
	v0 =	vand.u32 $0xF, v0  }
0xd: {  	s6 =	sshll.u32 s8, $0x7;
	s7 =	sadd.s32 s7, s9;
	s8 =	sadd.s32 s4, s11;
	v0 =	vcombine.low v0, v1  }
0xe: {  	s9 =	smax.u32 s10, $0x1;
	s10 =	simm.s32 $0x3;
	s11 =	simm.s32 $0x68;
	v1 =	vand.u32 $0xF, v2;
	v2 =	vand.u32 $0xF, v3;
	v3 =	vand.u32 $0xF, v4  }
.LBB2_1:
0xf: {  	[tilespmem:s2], [sflag:$0x3] =	stream.linear.gather [hbm4b:s7+s2], $0x6400, $0x38;
	[tilespmem:$0x12C40] =	vst v63  }
0x10: {  	_ =	swait.ge [sflag:s10], $0x6400  }
0x11: {  	[sflag:s10] =	ssyncset.done $0x0  }
0x12: {  	[sflag:s10] =	ssyncadd.s32 $0xFFFF9C00  }
0x13: {  	[tilespmem:s12], [sflag:$0x1] =	stream.indirect.gather [hbm4b:s5+s11], $0x40, s2, s11, $0xb8;
	[tilespmem:$0x12C40] =	vst v63  }
0x14: {  	_ = 	snop  }
0x15: {  	[tilespmem:s14], [sflag:$0x1] =	stream.indirect.gather [hbm4b:s5+s13], $0x40, s11, s13, $0xb8;
	[tilespmem:$0x12C40] =	vst v63  }
0x16: {  	s23 =	simm.s32 $0x0  }
0x17: {  	[tilespmem:s15], [sflag:$0x1] =	stream.linear.gather [hbm4b:s8+s2], $0x3200, $0x38;
	[tilespmem:$0x12C40] =	vst v63  }
.LBB2_2:
0x18: {  	_ =	swait.ge [sflag:s16], $0x1A00  }
0x19: {  	[sflag:s16] =	ssyncset.done $0x0  }
0x1a: {  	[sflag:s16] =	ssyncadd.s32 $0xFFFFE600  }
0x1b: {  	_ =	swait.ge [sflag:s16], $0x1800  }
0x1c: {  	[sflag:s16] =	ssyncset.done $0x0  }
0x1d: {  	s24 =	sshllo.u32 s23, $0x1;
	[sflag:s16] =	ssyncadd.s32 $0xFFFFE800  }
0x1e: {  	s25 =	smul.u32 $0x320, s24;
	_ =	swait.ge [sflag:s16], $0x3200  }
0x1f: {  	[sflag:s16] =	ssyncset.done $0x0  }
0x20: {  	s24 =	sor.u32 s6, s24;
	s25 =	sshra.s32 s25, $0x2;
	[sflag:s16] =	ssyncadd.s32 $0xFFFFCE00  }
0x21: {  	[tilespmem:s17], [sflag:$0x2] =	stream.indirect.gather [hbm4b:s5+s11], $0x40, s25, s11, $0xb8;
	[tilespmem:$0x12C40] =	vst v63  }
0x22: {  	s26 =	smul.u32 $0x640, s24;
	s25 =	sadd.s32 $0x68, s25  }
0x23: {  	[tilespmem:s18], [sflag:$0x2] =	stream.indirect.gather [hbm4b:s5+s13], $0x40, s25, s13, $0xb8;
	[tilespmem:$0x12C40] =	vst v63  }
0x24: {  	s31 =	simm.s32 $0x70;
	s30 =	sadd.s32 s4, s26  }
0x25: {  	[tilespmem:s19], [sflag:$0x2] =	stream.linear.gather [hbm4b:s30+s2], $0x3200, $0x38;
	[tilespmem:$0x12C40] =	vst v63  }
0x26: {  	v4 =	vld [tilespmem:s31+$0xC7F0]  }
0x27: {  	v13 =	vld [tilespmem:s31+$0x63D0]  }
0x28: {  	v16 =	vld [tilespmem:s31+$0x63E0]  }
0x29: {  	v15 =	vld [tilespmem:s31+$0x6390]  }
0x2a: {  	v19 =	vld [tilespmem:s31+$0x63A0]  }
0x2b: {  	v9 =	vld [tilespmem:s31+$0x63F0]  }
0x2c: {  	v10 =	vld [tilespmem:s31+$0x63B0]  }
0x2d: {  	v6 =	vld [tilespmem:s31+$0xC7D0]  }
0x2e: {  	v25 =	vld [tilespmem:s31+$0xC7E0]  }
0x2f: {  	v27 =	vld [tilespmem:s31+$0x6400]  }
0x30: {  	v20 =	vld [tilespmem:s31+$0x63C0];
	v5 =	vmul.f32 v13, v13;
	v7 =	vmul.f32 v16, v16  }
0x31: {  	v8 =	vmul.f32 v15, v15;
	v11 =	vmul.f32 v19, v19  }
0x32: {  	v22 =	vld [tilespmem:s31+$0xC790];
	v12 =	vmul.f32 v9, v9;
	v21 =	vmul.f32 v6, v13;
	v5 =	vadd.f32 v7, v5  }
0x33: {  	v24 =	vld [tilespmem:s31+$0xC7A0];
	v26 =	vmul.f32 v25, v16;
	v7 =	vmul.f32 v10, v10;
	v8 =	vadd.f32 v11, v8  }
0x34: {  	s26 =	simm.s32 $0xF0;
	v23 =	vld [tilespmem:s31+$0xC7B0];
	v30 =	vmul.f32 v4, v9;
	v11 =	vmul.f32 v27, v27;
	v5 =	vadd.f32 v12, v5  }
0x35: {  	v14 =	vld [tilespmem:s26+$0xC7D0];
	v21 =	vadd.f32 v26, v21;
	v7 =	vadd.f32 v7, v8;
	v8 =	vmul.f32 v20, v20  }
0x36: {  	v12 =	vld [tilespmem:s31+$0xC800];
	v11 =	vadd.f32 v11, v5  }
0x37: {  	v30 =	vadd.f32 v30, v21;
	v21 =	vld [tilespmem:s26+$0x6390];
	v17 =	vadd.f32 v8, v7  }
0x38: {  	v8 =	vld [tilespmem:s31+$0xC7C0];
	v7 =	vperm.xlane v11, v0  }
0x39: {  	v5 =	vld [tilespmem:s26+$0xC7F0];
	v18 =	vperm.xlane v17, v0  }
0x3a: {  	v28 =	vadd.f32 v7, v11;
	v7 =	vld [tilespmem:s26+$0x63F0]  }
0x3b: {  	v29 =	vmul.f32 v24, v19;
	v31 =	vmul.f32 v23, v10;
	v18 =	vadd.f32 v18, v17;
	v17 =	vld [tilespmem:s26+$0x63D0]  }
0x3c: {  	v11 =	vmul.f32 v22, v15;
	v26 =	vperm.xlane v28, v1  }
0x3d: {  	v44 =	vmul.f32 v21, v21;
	v32 =	vperm.xlane v18, v1  }
0x3e: {  	v33 =	vmul.f32 v8, v20;
	v29 =	vadd.f32 v29, v11;
	v11 =	vld [tilespmem:s26+$0x63B0];
	v26 =	vadd.f32 v26, v28  }
0x3f: {  	v28 =	vmul.f32 v12, v27;
	v32 =	vadd.f32 v32, v18;
	v38 =	vmul.f32 v5, v7  }
0x40: {  	v31 =	vadd.f32 v31, v29;
	v29 =	vld [tilespmem:s26+$0x63E0];
	v39 =	vmul.f32 v14, v17;
	v34 =	vperm.xlane v26, v2  }
0x41: {  	v18 =	vld [tilespmem:s26+$0x63A0];
	v35 =	vmul.f32 v7, v7;
	v36 =	vperm.xlane v32, v2;
	v28 =	vadd.f32 v28, v30  }
0x42: {  	v56 =	vmul.f32 v17, v17;
	v31 =	vadd.f32 v33, v31;
	v55 =	vadd.f32 v34, v26  }
0x43: {  	v37 =	vmul.f32 v11, v11;
	v32 =	vadd.f32 v36, v32;
	v30 =	vperm.xlane v28, v0  }
0x44: {  	v57 =	vperm.xlane v31, v0;
	v40 =	vperm.xlane v55, v3  }
0x45: {  	v41 =	vmul.f32 v29, v29;
	v42 =	vperm.xlane v32, v3;
	v43 =	vadd.f32 v30, v28  }
0x46: {  	v58 =	vmul.f32 v18, v18;
	v30 =	vld [tilespmem:s26+$0x6400];
	v36 =	vadd.f32 v57, v31;
	v33 =	vadd.f32 v40, v55  }
0x47: {  	v26 =	vimm.f32 $0.0e+00;
	v28 =	vld [tilespmem:s26+$0x63C0];
	v34 =	vadd.f32 v41, v56;
	v32 =	vadd.f32 v42, v32  }
0x48: {  	v31 =	vld [tilespmem:s26+$0xC7E0];
	v61 =	vadd.f32 v58, v44;
	v59 =	vperm.xlane v43, v1;
	v33 =	vmax.f32 v33, $1.000000020e-24  }
0x49: {  	v60 =	vperm.xlane v36, v1;
	v32 =	vmax.f32 v32, $1.000000020e-24;
	(erf) = vrcp.f32 v33  }
0x4a: {  	v34 =	vadd.f32 v35, v34;
	v47 =	vadd.f32 v59, v43;
	(erf) = vrcp.f32 v32;
	v32 =	vld [tilespmem:s26+$0xC790]  }
0x4b: {  	v45 =	vadd.f32 v37, v61;
	v40 =	vadd.f32 v60, v36;
	v62 =	vmul.f32 v30, v30  }
0x4c: {  	v35 =	vimm.f32 $0.0e+00;
	v46 =	vmul.f32 v28, v28;
	v63 =	vperm.xlane v47, v2  }
0x4d: {  	v36 =	vimm.f32 $0.0e+00;
	v33 =	vld [tilespmem:s26+$0xC7A0];
	v43 =	vmul.f32 v31, v29;
	v42 =	vperm.xlane v40, v2  }
0x4e: {  	s28 =	simm.s32 $0x5C0;
	s25 =	sshll.u32 s23, $0x1;
	v37 =	vld [tilespmem:s26+$0xC7B0];
	v44 =	vadd.f32 v62, v34;
	v34 =	vimm.f32 $0.0e+00;
	v41 =	vadd.f32 v63, v47  }
.LBB2_3:
0x4f: {  	p0 =	sne.s32 s28, $0xC7C0;
	v45 =	vadd.f32 v46, v45;
	v46 =	vmul.f32 v32, v21;
	v40 =	vadd.f32 v42, v40  }
0x50: {  	v42 =	vperm.xlane v44, v0;
	v47 =	vperm.xlane v41, v3  }
0x51: {  	v39 =	vadd.f32 v43, v39;
	v48 =	vperm.xlane v45, v0;
	v50 =	vperm.xlane v40, v3  }
0x52: {  	v49 =	vmul.f32 v33, v18;
	v42 =	vadd.f32 v42, v44;
	v41 =	vadd.f32 v47, v41  }
0x53: {  	v44 =	vadd.f32 v48, v45;
	v45 =	vmul.f32 v37, v11;
	v40 =	vadd.f32 v50, v40;
	v43 =	vpop (erf)  }
0x54: {  	v46 =	vadd.f32 v49, v46;
	v47 =	vperm.xlane v42, v1;
	v41 =	vmul.f32 v41, v43;
	v43 =	vpop (erf)  }
0x55: {  	v50 =	vadd.f32 v38, v39;
	v48 =	vperm.xlane v44, v1;
	v49 =	vld [tilespmem:s26+$0xC800];
	v38 =	vmul.f32 v40, v43  }
0x56: {  	v39 =	vld [tilespmem:s26+$0xC7C0];
	s26 =	sshra.s32 s28, $0x2;
	v40 =	vadd.f32 v45, v46;
	v43 =	vmul.f32 v41, v13;
	v45 =	vmul.f32 v41, v16;
	v13 =	vmovc v17  }
0x57: {  	v42 =	vadd.f32 v47, v42;
	v47 =	vmul.f32 v41, v9;
	v27 =	vmul.f32 v41, v27;
	v9 =	vmovc v7;
	v46 =	vld [tilespmem:s26+$0xC7F0]  }
0x58: {  	v16 =	vmovc v29;
	v44 =	vadd.f32 v48, v44;
	v48 =	vmul.f32 v38, v15;
	v19 =	vmul.f32 v38, v19;
	v41 =	vld [tilespmem:s26+$0xC7D0]  }
0x59: {  	v29 =	vmul.f32 v38, v10;
	v43 =	vsub.f32 v6, v43;
	v25 =	vsub.f32 v25, v45;
	v6 =	vmovc v14;
	v7 =	vld [tilespmem:s26+$0x63F0]  }
0x5a: {  	v14 =	vmul.f32 v38, v20;
	v20 =	vsub.f32 v4, v47;
	v27 =	vsub.f32 v12, v27;
	v17 =	vld [tilespmem:s26+$0x63D0];
	v12 =	vmovc v49  }
0x5b: {  	v10 =	vmovc v11;
	v15 =	vmovc v21;
	v4 =	vmov v5;
	v22 =	vsub.f32 v22, v48;
	v19 =	vsub.f32 v24, v19  }
0x5c: {  	v21 =	vsub.f32 v23, v29;
	v29 =	vsub.f32 v8, v14;
	v24 =	vmul.f32 v12, v30;
	v8 =	vmovc v39  }
0x5d: {  	v22 =	vadd.f32 v22, v26;
	v45 =	vadd.f32 v19, v35;
	v23 =	vmul.f32 v8, v28;
	v5 =	vmovc v46;
	v11 =	vld [tilespmem:s26+$0x63B0]  }
0x5e: {  	v21 =	vadd.f32 v21, v36;
	v34 =	vadd.f32 v29, v34;
	v14 =	vmovc v41;
	v38 =	vmul.f32 v5, v7  }
0x5f: {  	v26 =	vadd.f32 v43, v22;
	v35 =	vadd.f32 v25, v45;
	v19 =	vmovc v18;
	v39 =	vmul.f32 v14, v17  }
0x60: {  	v46 =	vperm.xlane v42, v2;
	v36 =	vadd.f32 v20, v21;
	v34 =	vadd.f32 v27, v34;
	v27 =	vmovc v30;
	v29 =	vld [tilespmem:s26+$0x63E0]  }
0x61: {  	v43 =	vadd.f32 v24, v50;
	v20 =	vmovc v28;
	v41 =	vmul.f32 v7, v7;
	v30 =	vperm.xlane v44, v2;
	v21 =	vld [tilespmem:s26+$0x6390]  }
0x62: {  	v25 =	vmovc v31;
	v28 =	vadd.f32 v23, v40;
	v40 =	vadd.f32 v46, v42;
	v18 =	vld [tilespmem:s26+$0x63A0];
	v45 =	vmul.f32 v11, v11  }
0x63: {  	v42 =	vmul.f32 v17, v17;
	v22 =	vmovc v32;
	v31 =	vadd.f32 v30, v44;
	v30 =	vperm.xlane v43, v0  }
0x64: {  	v24 =	vmovc v33;
	v32 =	vperm.xlane v28, v0;
	v44 =	vperm.xlane v40, v3;
	v23 =	vmov v37  }
0x65: {  	v37 =	vperm.xlane v31, v3;
	v43 =	vadd.f32 v30, v43;
	v33 =	vmul.f32 v29, v29  }
0x66: {  	v47 =	vadd.f32 v32, v28;
	v32 =	vadd.f32 v44, v40;
	v46 =	vmul.f32 v21, v21;
	v30 =	vld [tilespmem:s26+$0x6400]  }
0x67: {  	v37 =	vadd.f32 v37, v31;
	v44 =	vperm.xlane v43, v1;
	v28 =	vld [tilespmem:s26+$0x63C0];
	v40 =	vmul.f32 v18, v18  }
0x68: {  	v48 =	vmax.f32 v32, $1.000000020e-24;
	v33 =	vadd.f32 v33, v42;
	v42 =	vperm.xlane v47, v1;
	v31 =	vld [tilespmem:s26+$0xC7E0]  }
.Ltmp0:
0x69: {  	v37 =	vmax.f32 v37, $1.000000020e-24;
	v49 =	vadd.f32 v44, v43;
	v32 =	vld [tilespmem:s26+$0xC790];
	(erf) = vrcp.f32 v48;
	(pc) =	sbr.rel @p0 .LBB2_3-.Ltmp0, $4  }
0x6a: {  	v43 =	vadd.f32 v40, v46;
	v40 =	vadd.f32 v42, v47;
	(erf) = vrcp.f32 v37  }
0x6b: {  	v41 =	vadd.f32 v41, v33;
	v47 =	vperm.xlane v49, v2;
	v44 =	vmul.f32 v30, v30  }
0x6c: {  	v45 =	vadd.f32 v45, v43;
	v42 =	vperm.xlane v40, v2;
	v33 =	vld [tilespmem:s26+$0xC7A0];
	v46 =	vmul.f32 v28, v28  }
0x6d: {  	s28 =	sadd.s32 $0x200, s28;
	v37 =	vld [tilespmem:s26+$0xC7B0];
	v44 =	vadd.f32 v44, v41;
	v43 =	vmul.f32 v31, v29;
	v41 =	vadd.f32 v47, v49  }
0x6e: {  	_ = 	snop  }
0x6f: {  	v45 =	vadd.f32 v46, v45;
	v52 =	vperm.xlane v44, v0;
	_ =	sdelay $0x1  }
0x70: {  	v46 =	vld [tilespmem:s26+$0xC800];
	v47 =	vperm.xlane v45, v0;
	v44 =	vadd.f32 v52, v44  }
0x71: {  	v48 =	vmul.f32 v32, v21;
	v40 =	vadd.f32 v42, v40;
	v39 =	vadd.f32 v43, v39  }
0x72: {  	v50 =	vld [tilespmem:s26+$0xC7C0];
	v57 =	vperm.xlane v41, v3;
	v45 =	vadd.f32 v47, v45;
	v53 =	vperm.xlane v44, v1  }
0x73: {  	v61 =	vperm.xlane v40, v3;
	v49 =	vmul.f32 v33, v18  }
0x74: {  	v38 =	vadd.f32 v38, v39;
	v56 =	vperm.xlane v45, v1;
	v44 =	vadd.f32 v53, v44  }
0x75: {  	v54 =	vmul.f32 v37, v11;
	v55 =	vadd.f32 v49, v48;
	v58 =	vmul.f32 v46, v30  }
0x76: {  	v41 =	vadd.f32 v57, v41;
	v59 =	vadd.f32 v56, v45;
	v60 =	vperm.xlane v44, v2  }
0x77: {  	v62 =	vmul.f32 v50, v28;
	v42 =	vadd.f32 v54, v55;
	v38 =	vadd.f32 v58, v38  }
0x78: {  	v40 =	vadd.f32 v61, v40;
	v48 =	vpop (erf);
	v63 =	vperm.xlane v59, v2;
	v44 =	vadd.f32 v60, v44  }
0x79: {  	v41 =	vmul.f32 v41, v48;
	v51 =	vpop (erf);
	v39 =	vadd.f32 v62, v42;
	v49 =	vperm.xlane v38, v0  }
0x7a: {  	v40 =	vmul.f32 v40, v51;
	v43 =	vadd.f32 v63, v59;
	v52 =	vperm.xlane v44, v3  }
0x7b: {  	v13 =	vmul.f32 v41, v13;
	v53 =	vperm.xlane v39, v0;
	v38 =	vadd.f32 v49, v38  }
0x7c: {  	v16 =	vmul.f32 v41, v16;
	v54 =	vperm.xlane v43, v3;
	v44 =	vadd.f32 v52, v44  }
0x7d: {  	v9 =	vmul.f32 v41, v9;
	v39 =	vadd.f32 v53, v39;
	v55 =	vperm.xlane v38, v1  }
0x7e: {  	v27 =	vmul.f32 v41, v27;
	v42 =	vadd.f32 v54, v43;
	v56 =	vmax.f32 v44, $1.000000020e-24  }
0x7f: {  	v57 =	vperm.xlane v39, v1;
	v38 =	vadd.f32 v55, v38;
	(erf) = vrcp.f32 v56  }
0x80: {  	v15 =	vmul.f32 v40, v15;
	v19 =	vmul.f32 v40, v19;
	v58 =	vmax.f32 v42, $1.000000020e-24  }
0x81: {  	v39 =	vadd.f32 v57, v39;
	v59 =	vperm.xlane v38, v2;
	(erf) = vrcp.f32 v58  }
0x82: {  	v10 =	vmul.f32 v40, v10;
	v6 =	vsub.f32 v6, v13;
	v13 =	vsub.f32 v25, v16  }
0x83: {  	v4 =	vsub.f32 v4, v9;
	v16 =	vperm.xlane v39, v2;
	v25 =	vadd.f32 v59, v38  }
0x84: {  	v20 =	vmul.f32 v40, v20;
	v9 =	vsub.f32 v12, v27;
	v12 =	vsub.f32 v22, v15  }
0x85: {  	v19 =	vsub.f32 v24, v19;
	v15 =	vadd.f32 v16, v39;
	v16 =	vperm.xlane v25, v3  }
0x86: {  	v10 =	vsub.f32 v23, v10;
	v12 =	vadd.f32 v12, v26  }
0x87: {  	v8 =	vsub.f32 v8, v20;
	v20 =	vperm.xlane v15, v3;
	v16 =	vadd.f32 v16, v25  }
0x88: {  	v19 =	vadd.f32 v19, v35;
	v22 =	vpop (erf)  }
0x89: {  	v10 =	vadd.f32 v10, v36;
	v15 =	vadd.f32 v20, v15;
	v16 =	vmul.f32 v16, v22  }
0x8a: {  	v8 =	vadd.f32 v8, v34;
	v6 =	vadd.f32 v6, v12;
	v12 =	vpop (erf)  }
0x8b: {  	v13 =	vadd.f32 v13, v19;
	v12 =	vmul.f32 v15, v12;
	v15 =	vmul.f32 v16, v17  }
0x8c: {  	v4 =	vadd.f32 v4, v10;
	v10 =	vmul.f32 v16, v29;
	v7 =	vmul.f32 v16, v7  }
0x8d: {  	v8 =	vadd.f32 v9, v8;
	v9 =	vmul.f32 v16, v30;
	v16 =	vmul.f32 v12, v21  }
0x8e: {  	v17 =	vmul.f32 v12, v18;
	v14 =	vsub.f32 v14, v15;
	v10 =	vsub.f32 v31, v10  }
0x8f: {  	v11 =	vmul.f32 v12, v11;
	v5 =	vsub.f32 v5, v7;
	v7 =	vsub.f32 v32, v16  }
0x90: {  	v12 =	vmul.f32 v12, v28;
	v9 =	vsub.f32 v46, v9;
	v15 =	vsub.f32 v33, v17  }
0x91: {  	v11 =	vsub.f32 v37, v11;
	v6 =	vadd.f32 v7, v6  }
0x92: {  	v7 =	vsub.f32 v50, v12;
	v12 =	vadd.f32 v15, v13  }
0x93: {  	v4 =	vadd.f32 v11, v4;
	v6 =	vadd.f32 v14, v6  }
0x94: {  	v7 =	vadd.f32 v7, v8;
	v8 =	vadd.f32 v10, v12  }
0x95: {  	v4 =	vadd.f32 v5, v4;
	v5 =	vmul.f32 $4.999999890e-03, v6  }
0x96: {  	v6 =	vadd.f32 v9, v7;
	v7 =	vmul.f32 $4.999999890e-03, v8  }
0x97: {  	v4 =	vmul.f32 $4.999999890e-03, v4;
	[tilespmem:$0x12C00] =	vst v5  }
0x98: {  	s30 =	sadd.s32 s6, s25;
	[tilespmem:$0x12C10] =	vst v7;
	v5 =	vmul.f32 $4.999999890e-03, v6  }
0x99: {  	s26 =	sshll.u32 s30, $0x3;
	[tilespmem:$0x12C20] =	vst v4  }
0x9a: {  	s26 =	sadd.s32 s1, s26;
	[tilespmem:$0x12C30] =	vst v5  }
0x9b: {  	[hbm4b:s26+s2] =	stream.linear.scatter [tilespmem:s20], [sflag:$0x3], $0x40, $0x38;
	[tilespmem:$0x12C40] =	vst v63  }
0x9c: {  	_ =	swait.ge [sflag:s10], $0x40  }
0x9d: {  	[sflag:s10] =	ssyncset.done $0x0  }
0x9e: {  	[sflag:s10] =	ssyncadd.s32 $0xFFFFFFC0  }
0x9f: {  	_ =	swait.ge [sflag:s21], $0x1A00  }
0xa0: {  	[sflag:s21] =	ssyncset.done $0x0  }
0xa1: {  	[sflag:s21] =	ssyncadd.s32 $0xFFFFE600  }
0xa2: {  	_ =	swait.ge [sflag:s21], $0x1800  }
0xa3: {  	p0 =	seq.s32 s23, $0x3F;
	[sflag:s21] =	ssyncset.done $0x0  }
0xa4: {  	s31 =	simm.s32 $0x0;
	s25 =	sadd.s32 @!p0 $0x2, s25;
	[sflag:s21] =	ssyncadd.s32 $0xFFFFE800  }
0xa5: {  	s28 =	simm.s32 @!p0 $0x68;
	s26 =	smul.u32 @!p0 $0x320, s25;
	_ =	swait.ge [sflag:s21], $0x3200  }
0xa6: {  	s29 =	simm.s32 @!p0 $0x6400;
	s25 =	sadd.s32 @!p0 s6, s25;
	[sflag:s21] =	ssyncset.done $0x0  }
0xa7: {  	s25 =	smul.u32 @!p0 $0x640, s25;
	s26 =	sshra.s32 @!p0 s26, $0x2;
	[sflag:s21] =	ssyncadd.s32 $0xFFFFCE00  }
0xa8: {  	[tilespmem:s29], [sflag:$0x1] =	stream.indirect.gather @!p0 [hbm4b:s5+s28], $0x40, s26, s28, $0xb8;
	[tilespmem:$0x12C40] =	vst v63  }
0xa9: {  	s26 =	sadd.s32 @!p0 $0x68, s26;
	s28 =	simm.s32 @!p0 $0x60;
	s29 =	simm.s32 @!p0 $0x7E00  }
0xaa: {  	[tilespmem:s29], [sflag:$0x1] =	stream.indirect.gather @!p0 [hbm4b:s5+s28], $0x40, s26, s28, $0xb8;
	[tilespmem:$0x12C40] =	vst v63  }
0xab: {  	s25 =	sadd.s32 @!p0 s4, s25;
	s26 =	simm.s32 @!p0 $0x0;
	s28 =	simm.s32 @!p0 $0xC800  }
0xac: {  	[tilespmem:s28], [sflag:$0x1] =	stream.linear.gather @!p0 [hbm4b:s25+s26], $0x3200, $0x38;
	[tilespmem:$0x12C40] =	vst v63  }
0xad: {  	v4 =	vld [tilespmem:s31+$0xFA60]  }
0xae: {  	v13 =	vld [tilespmem:s31+$0x9640]  }
0xaf: {  	v16 =	vld [tilespmem:s31+$0x9650]  }
0xb0: {  	v15 =	vld [tilespmem:s31+$0x9600]  }
0xb1: {  	v19 =	vld [tilespmem:s31+$0x9610]  }
0xb2: {  	v9 =	vld [tilespmem:s31+$0x9660]  }
0xb3: {  	v10 =	vld [tilespmem:s31+$0x9620]  }
0xb4: {  	v6 =	vld [tilespmem:s31+$0xFA40]  }
0xb5: {  	v25 =	vld [tilespmem:s31+$0xFA50]  }
0xb6: {  	v27 =	vld [tilespmem:s31+$0x9670]  }
0xb7: {  	v20 =	vld [tilespmem:s31+$0x9630];
	v5 =	vmul.f32 v13, v13;
	v7 =	vmul.f32 v16, v16  }
0xb8: {  	v8 =	vmul.f32 v15, v15;
	v11 =	vmul.f32 v19, v19  }
0xb9: {  	v22 =	vld [tilespmem:s31+$0xFA00];
	v12 =	vmul.f32 v9, v9;
	v21 =	vmul.f32 v6, v13;
	v5 =	vadd.f32 v7, v5  }
0xba: {  	v24 =	vld [tilespmem:s31+$0xFA10];
	v26 =	vmul.f32 v25, v16;
	v7 =	vmul.f32 v10, v10;
	v8 =	vadd.f32 v11, v8  }
0xbb: {  	s25 =	simm.s32 $0x80;
	v23 =	vld [tilespmem:s31+$0xFA20];
	v30 =	vmul.f32 v4, v9;
	v11 =	vmul.f32 v27, v27;
	v5 =	vadd.f32 v12, v5  }
0xbc: {  	v14 =	vld [tilespmem:s25+$0xFA40];
	v21 =	vadd.f32 v26, v21;
	v7 =	vadd.f32 v7, v8;
	v8 =	vmul.f32 v20, v20  }
0xbd: {  	v12 =	vld [tilespmem:s31+$0xFA70];
	v11 =	vadd.f32 v11, v5  }
0xbe: {  	v30 =	vadd.f32 v30, v21;
	v21 =	vld [tilespmem:s25+$0x9600];
	v17 =	vadd.f32 v8, v7  }
0xbf: {  	v8 =	vld [tilespmem:s31+$0xFA30];
	v7 =	vperm.xlane v11, v0  }
0xc0: {  	v5 =	vld [tilespmem:s25+$0xFA60];
	v18 =	vperm.xlane v17, v0  }
0xc1: {  	v28 =	vadd.f32 v7, v11;
	v7 =	vld [tilespmem:s25+$0x9660]  }
0xc2: {  	v29 =	vmul.f32 v24, v19;
	v31 =	vmul.f32 v23, v10;
	v18 =	vadd.f32 v18, v17;
	v17 =	vld [tilespmem:s25+$0x9640]  }
0xc3: {  	v11 =	vmul.f32 v22, v15;
	v26 =	vperm.xlane v28, v1  }
0xc4: {  	v56 =	vmul.f32 v21, v21;
	v60 =	vperm.xlane v18, v1  }
0xc5: {  	v61 =	vmul.f32 v8, v20;
	v29 =	vadd.f32 v29, v11;
	v11 =	vld [tilespmem:s25+$0x9620];
	v26 =	vadd.f32 v26, v28  }
0xc6: {  	v28 =	vmul.f32 v12, v27;
	v32 =	vadd.f32 v60, v18;
	v38 =	vmul.f32 v5, v7  }
0xc7: {  	v39 =	vmul.f32 v14, v17;
	v62 =	vperm.xlane v26, v2  }
0xc8: {  	v31 =	vadd.f32 v31, v29;
	v29 =	vld [tilespmem:s25+$0x9650];
	v63 =	vmul.f32 v7, v7;
	v47 =	vperm.xlane v32, v2  }
0xc9: {  	v18 =	vld [tilespmem:s25+$0x9610];
	v50 =	vmul.f32 v17, v17;
	v28 =	vadd.f32 v28, v30;
	v49 =	vadd.f32 v62, v26  }
0xca: {  	v31 =	vadd.f32 v61, v31;
	v48 =	vmul.f32 v11, v11;
	v32 =	vadd.f32 v47, v32  }
0xcb: {  	v35 =	vimm.f32 $0.0e+00;
	v30 =	vperm.xlane v28, v0;
	v52 =	vperm.xlane v49, v3  }
0xcc: {  	v26 =	vimm.f32 $0.0e+00;
	v51 =	vperm.xlane v31, v0;
	v54 =	vperm.xlane v32, v3  }
0xcd: {  	v53 =	vmul.f32 v29, v29;
	v55 =	vadd.f32 v30, v28;
	v30 =	vld [tilespmem:s25+$0x9670];
	v33 =	vadd.f32 v52, v49  }
0xce: {  	v57 =	vmul.f32 v18, v18;
	v36 =	vadd.f32 v51, v31;
	v28 =	vld [tilespmem:s25+$0x9630];
	v32 =	vadd.f32 v54, v32  }
0xcf: {  	v31 =	vld [tilespmem:s25+$0xFA50];
	v34 =	vadd.f32 v53, v50;
	v58 =	vperm.xlane v55, v1;
	v33 =	vmax.f32 v33, $1.000000020e-24  }
0xd0: {  	v59 =	vperm.xlane v36, v1;
	v32 =	vmax.f32 v32, $1.000000020e-24;
	(erf) = vrcp.f32 v33  }
0xd1: {  	v61 =	vadd.f32 v57, v56;
	v60 =	vadd.f32 v58, v55;
	(erf) = vrcp.f32 v32;
	v32 =	vld [tilespmem:s25+$0xFA00]  }
0xd2: {  	v34 =	vadd.f32 v63, v34;
	v40 =	vadd.f32 v59, v36;
	v62 =	vmul.f32 v30, v30  }
0xd3: {  	v45 =	vadd.f32 v48, v61;
	v46 =	vmul.f32 v28, v28;
	v63 =	vperm.xlane v60, v2  }
0xd4: {  	v36 =	vimm.f32 $0.0e+00;
	v33 =	vld [tilespmem:s25+$0xFA10];
	v43 =	vmul.f32 v31, v29;
	v42 =	vperm.xlane v40, v2  }
0xd5: {  	s26 =	simm.s32 $0x400;
	v37 =	vld [tilespmem:s25+$0xFA20];
	v44 =	vadd.f32 v62, v34;
	v34 =	vimm.f32 $0.0e+00;
	v41 =	vadd.f32 v63, v60  }
.LBB2_5:
0xd6: {  	p0 =	sne.s32 s26, $0xC600;
	v45 =	vadd.f32 v46, v45;
	v46 =	vmul.f32 v32, v21;
	v40 =	vadd.f32 v42, v40  }
0xd7: {  	v42 =	vperm.xlane v44, v0;
	v47 =	vperm.xlane v41, v3  }
0xd8: {  	v39 =	vadd.f32 v43, v39;
	v48 =	vperm.xlane v45, v0;
	v50 =	vperm.xlane v40, v3  }
0xd9: {  	v49 =	vmul.f32 v33, v18;
	v42 =	vadd.f32 v42, v44;
	v41 =	vadd.f32 v47, v41  }
0xda: {  	v44 =	vadd.f32 v48, v45;
	v45 =	vmul.f32 v37, v11;
	v40 =	vadd.f32 v50, v40;
	v43 =	vpop (erf)  }
0xdb: {  	v46 =	vadd.f32 v49, v46;
	v47 =	vperm.xlane v42, v1;
	v41 =	vmul.f32 v41, v43;
	v43 =	vpop (erf)  }
0xdc: {  	v50 =	vadd.f32 v38, v39;
	v48 =	vperm.xlane v44, v1;
	v49 =	vld [tilespmem:s25+$0xFA70];
	v38 =	vmul.f32 v40, v43  }
0xdd: {  	v39 =	vld [tilespmem:s25+$0xFA30];
	s25 =	sshra.s32 s26, $0x2;
	v40 =	vadd.f32 v45, v46;
	v43 =	vmul.f32 v41, v13;
	v45 =	vmul.f32 v41, v16;
	v13 =	vmovc v17  }
0xde: {  	v42 =	vadd.f32 v47, v42;
	v47 =	vmul.f32 v41, v9;
	v27 =	vmul.f32 v41, v27;
	v9 =	vmovc v7;
	v46 =	vld [tilespmem:s25+$0xFA60]  }
0xdf: {  	v16 =	vmovc v29;
	v44 =	vadd.f32 v48, v44;
	v48 =	vmul.f32 v38, v15;
	v19 =	vmul.f32 v38, v19;
	v41 =	vld [tilespmem:s25+$0xFA40]  }
0xe0: {  	v29 =	vmul.f32 v38, v10;
	v43 =	vsub.f32 v6, v43;
	v25 =	vsub.f32 v25, v45;
	v6 =	vmovc v14;
	v7 =	vld [tilespmem:s25+$0x9660]  }
0xe1: {  	v14 =	vmul.f32 v38, v20;
	v20 =	vsub.f32 v4, v47;
	v27 =	vsub.f32 v12, v27;
	v17 =	vld [tilespmem:s25+$0x9640];
	v12 =	vmovc v49  }
0xe2: {  	v10 =	vmovc v11;
	v15 =	vmovc v21;
	v4 =	vmov v5;
	v22 =	vsub.f32 v22, v48;
	v19 =	vsub.f32 v24, v19  }
0xe3: {  	v21 =	vsub.f32 v23, v29;
	v29 =	vsub.f32 v8, v14;
	v24 =	vmul.f32 v12, v30;
	v8 =	vmovc v39  }
0xe4: {  	v22 =	vadd.f32 v22, v26;
	v45 =	vadd.f32 v19, v35;
	v23 =	vmul.f32 v8, v28;
	v5 =	vmovc v46;
	v11 =	vld [tilespmem:s25+$0x9620]  }
0xe5: {  	v21 =	vadd.f32 v21, v36;
	v34 =	vadd.f32 v29, v34;
	v14 =	vmovc v41;
	v38 =	vmul.f32 v5, v7  }
0xe6: {  	v26 =	vadd.f32 v43, v22;
	v35 =	vadd.f32 v25, v45;
	v19 =	vmovc v18;
	v39 =	vmul.f32 v14, v17  }
0xe7: {  	v46 =	vperm.xlane v42, v2;
	v36 =	vadd.f32 v20, v21;
	v34 =	vadd.f32 v27, v34;
	v27 =	vmovc v30;
	v29 =	vld [tilespmem:s25+$0x9650]  }
0xe8: {  	v43 =	vadd.f32 v24, v50;
	v20 =	vmovc v28;
	v41 =	vmul.f32 v7, v7;
	v30 =	vperm.xlane v44, v2;
	v21 =	vld [tilespmem:s25+$0x9600]  }
0xe9: {  	v25 =	vmovc v31;
	v28 =	vadd.f32 v23, v40;
	v40 =	vadd.f32 v46, v42;
	v18 =	vld [tilespmem:s25+$0x9610];
	v45 =	vmul.f32 v11, v11  }
0xea: {  	v42 =	vmul.f32 v17, v17;
	v22 =	vmovc v32;
	v31 =	vadd.f32 v30, v44;
	v30 =	vperm.xlane v43, v0  }
0xeb: {  	v24 =	vmovc v33;
	v32 =	vperm.xlane v28, v0;
	v44 =	vperm.xlane v40, v3;
	v23 =	vmov v37  }
0xec: {  	v37 =	vperm.xlane v31, v3;
	v43 =	vadd.f32 v30, v43;
	v33 =	vmul.f32 v29, v29  }
0xed: {  	v47 =	vadd.f32 v32, v28;
	v32 =	vadd.f32 v44, v40;
	v46 =	vmul.f32 v21, v21;
	v30 =	vld [tilespmem:s25+$0x9670]  }
0xee: {  	v37 =	vadd.f32 v37, v31;
	v44 =	vperm.xlane v43, v1;
	v28 =	vld [tilespmem:s25+$0x9630];
	v40 =	vmul.f32 v18, v18  }
0xef: {  	v48 =	vmax.f32 v32, $1.000000020e-24;
	v33 =	vadd.f32 v33, v42;
	v42 =	vperm.xlane v47, v1;
	v31 =	vld [tilespmem:s25+$0xFA50]  }
.Ltmp1:
0xf0: {  	v37 =	vmax.f32 v37, $1.000000020e-24;
	v49 =	vadd.f32 v44, v43;
	v32 =	vld [tilespmem:s25+$0xFA00];
	(erf) = vrcp.f32 v48;
	(pc) =	sbr.rel @p0 .LBB2_5-.Ltmp1, $4  }
0xf1: {  	v43 =	vadd.f32 v40, v46;
	v40 =	vadd.f32 v42, v47;
	(erf) = vrcp.f32 v37  }
0xf2: {  	v41 =	vadd.f32 v41, v33;
	v47 =	vperm.xlane v49, v2;
	v44 =	vmul.f32 v30, v30  }
0xf3: {  	v45 =	vadd.f32 v45, v43;
	v42 =	vperm.xlane v40, v2;
	v33 =	vld [tilespmem:s25+$0xFA10];
	v46 =	vmul.f32 v28, v28  }
0xf4: {  	s26 =	sadd.s32 $0x200, s26;
	v37 =	vld [tilespmem:s25+$0xFA20];
	v44 =	vadd.f32 v44, v41;
	v43 =	vmul.f32 v31, v29;
	v41 =	vadd.f32 v47, v49  }
0xf5: {  	_ = 	snop  }
0xf6: {  	v45 =	vadd.f32 v46, v45;
	v53 =	vperm.xlane v44, v0;
	_ =	sdelay $0x1  }
0xf7: {  	v46 =	vld [tilespmem:s25+$0xFA70];
	v47 =	vperm.xlane v45, v0;
	v44 =	vadd.f32 v53, v44  }
0xf8: {  	v48 =	vmul.f32 v32, v21  }
0xf9: {  	v50 =	vld [tilespmem:s25+$0xFA30];
	v39 =	vadd.f32 v43, v39;
	v45 =	vadd.f32 v47, v45;
	v54 =	vperm.xlane v44, v1  }
0xfa: {  	v40 =	vadd.f32 v42, v40;
	v58 =	vperm.xlane v41, v3;
	v49 =	vmul.f32 v33, v18  }
0xfb: {  	v38 =	vadd.f32 v38, v39;
	v57 =	vperm.xlane v45, v1;
	v44 =	vadd.f32 v54, v44  }
0xfc: {  	v55 =	vmul.f32 v37, v11;
	v56 =	vadd.f32 v49, v48;
	v59 =	vmul.f32 v46, v30  }
0xfd: {  	v62 =	vperm.xlane v40, v3;
	v60 =	vadd.f32 v57, v45;
	v61 =	vperm.xlane v44, v2  }
0xfe: {  	v63 =	vmul.f32 v50, v28;
	v42 =	vadd.f32 v55, v56;
	v38 =	vadd.f32 v59, v38  }
0xff: {  	v41 =	vadd.f32 v58, v41;
	v49 =	vperm.xlane v60, v2;
	v44 =	vadd.f32 v61, v44  }
0x100: {  	v40 =	vadd.f32 v62, v40;
	v51 =	vpop (erf);
	v39 =	vadd.f32 v63, v42;
	v52 =	vperm.xlane v38, v0  }
0x101: {  	v41 =	vmul.f32 v41, v51;
	v53 =	vpop (erf);
	v43 =	vadd.f32 v49, v60;
	v54 =	vperm.xlane v44, v3  }
0x102: {  	v40 =	vmul.f32 v40, v53;
	v55 =	vperm.xlane v39, v0;
	v38 =	vadd.f32 v52, v38  }
0x103: {  	v13 =	vmul.f32 v41, v13;
	v56 =	vperm.xlane v43, v3;
	v44 =	vadd.f32 v54, v44  }
0x104: {  	v16 =	vmul.f32 v41, v16;
	v39 =	vadd.f32 v55, v39;
	v57 =	vperm.xlane v38, v1  }
0x105: {  	v9 =	vmul.f32 v41, v9;
	v42 =	vadd.f32 v56, v43;
	v58 =	vmax.f32 v44, $1.000000020e-24  }
0x106: {  	v59 =	vperm.xlane v39, v1;
	v38 =	vadd.f32 v57, v38;
	(erf) = vrcp.f32 v58  }
0x107: {  	v27 =	vmul.f32 v41, v27;
	v15 =	vmul.f32 v40, v15;
	v60 =	vmax.f32 v42, $1.000000020e-24  }
0x108: {  	v39 =	vadd.f32 v59, v39;
	v61 =	vperm.xlane v38, v2;
	(erf) = vrcp.f32 v60  }
0x109: {  	v19 =	vmul.f32 v40, v19;
	v10 =	vmul.f32 v40, v10;
	v6 =	vsub.f32 v6, v13  }
0x10a: {  	v62 =	vsub.f32 v25, v16;
	v63 =	vperm.xlane v39, v2;
	v41 =	vadd.f32 v61, v38  }
0x10b: {  	v20 =	vmul.f32 v40, v20;
	v4 =	vsub.f32 v4, v9;
	v19 =	vsub.f32 v24, v19  }
0x10c: {  	v10 =	vsub.f32 v23, v10;
	v44 =	vadd.f32 v63, v39;
	v45 =	vperm.xlane v41, v3  }
0x10d: {  	v8 =	vsub.f32 v8, v20;
	v19 =	vadd.f32 v19, v35  }
0x10e: {  	v43 =	vsub.f32 v22, v15;
	v47 =	vperm.xlane v44, v3;
	v16 =	vadd.f32 v45, v41  }
0x10f: {  	v10 =	vadd.f32 v10, v36;
	v42 =	vsub.f32 v12, v27;
	v48 =	vpop (erf)  }
0x110: {  	v12 =	vadd.f32 v43, v26;
	v15 =	vadd.f32 v47, v44;
	v16 =	vmul.f32 v16, v48  }
0x111: {  	v8 =	vadd.f32 v8, v34;
	v13 =	vadd.f32 v62, v19;
	v49 =	vpop (erf)  }
0x112: {  	v6 =	vadd.f32 v6, v12;
	v12 =	vmul.f32 v15, v49;
	v51 =	vmul.f32 v16, v17  }
0x113: {  	v4 =	vadd.f32 v4, v10;
	v52 =	vmul.f32 v16, v29;
	v7 =	vmul.f32 v16, v7  }
0x114: {  	v8 =	vadd.f32 v42, v8;
	v53 =	vmul.f32 v16, v30;
	v54 =	vmul.f32 v12, v21  }
0x115: {  	v55 =	vmul.f32 v12, v18;
	v14 =	vsub.f32 v14, v51;
	v10 =	vsub.f32 v31, v52  }
0x116: {  	v56 =	vmul.f32 v12, v11;
	v5 =	vsub.f32 v5, v7;
	v57 =	vsub.f32 v32, v54  }
0x117: {  	v12 =	vmul.f32 v12, v28;
	v9 =	vsub.f32 v46, v53;
	v58 =	vsub.f32 v33, v55  }
0x118: {  	v11 =	vsub.f32 v37, v56;
	v6 =	vadd.f32 v57, v6  }
0x119: {  	v59 =	vsub.f32 v50, v12;
	v60 =	vadd.f32 v58, v13  }
0x11a: {  	v4 =	vadd.f32 v11, v4;
	v6 =	vadd.f32 v14, v6  }
0x11b: {  	v7 =	vadd.f32 v59, v8;
	v61 =	vadd.f32 v10, v60  }
0x11c: {  	v4 =	vadd.f32 v5, v4;
	v5 =	vmul.f32 $4.999999890e-03, v6  }
0x11d: {  	v62 =	vadd.f32 v9, v7;
	v63 =	vmul.f32 $4.999999890e-03, v61  }
0x11e: {  	v4 =	vmul.f32 $4.999999890e-03, v4;
	[tilespmem:$0x12C00] =	vst v5  }
0x11f: {  	s24 =	sshll.u32 s24, $0x3;
	s23 =	sadd.s32 $0x1, s23;
	[tilespmem:$0x12C10] =	vst v63;
	v5 =	vmul.f32 $4.999999890e-03, v62  }
0x120: {  	s24 =	sand.u32 $0x1FFFFFF8, s24;
	p0 =	sne.s32 s23, $0x40;
	[tilespmem:$0x12C20] =	vst v4  }
.Ltmp2:
0x121: {  	s24 =	sadd.s32 s1, s24;
	[tilespmem:$0x12C30] =	vst v5;
	(pc) =	sbr.rel @p0 .LBB2_2-.Ltmp2, $4  }
0x122: {  	[hbm4b:s24+s2] =	stream.linear.scatter [tilespmem:s20], [sflag:$0x3], $0x40, $0x38;
	[tilespmem:$0x12C40] =	vst v63  }
0x123: {  	_ =	swait.ge [sflag:s10], $0x40  }
0x124: {  	[sflag:s10] =	ssyncset.done $0x0  }
0x125: {  	[sflag:s10] =	ssyncadd.s32 $0xFFFFFFC0  }
0x126: {  	s22 =	sadd.s32 $0x1, s22  }
0x127: {  	p0 =	sne.s32 s22, s9  }
.Ltmp3:
0x128: {  	_ = 	snop;
	(pc) =	sbr.rel @p0 .LBB2_1-.Ltmp3, $1  }
0x129: {  	_ =	sdelay $0x3  }
0x12a: {  	_ =	sfence.sel $0x180000  }
0x12b: {  	[bflag:$0x0] =	sbarrier.arrive $0xFFFF  }
0x12c: {  	p0 =	sne.s32 s3, $0x0;
	_ =	strace $0x90000047  }
0x12d: {  	s0 =	sadd.s32 @!p0 $0x100000, s0;
	[bflag:$0x2] =	sbarrier.arrive $0xFFFF  }
0x12e: {  	[sflag:s0] =	ssyncadd.tile.s32 @!p0 $0x1;
	_ =	shalt  }
.Lfunc_end2:
_tile_overlayer_lowered:
.L_overlay_start_2:
0x12f: {  	(tag) =	ssettag $0x2  }
0x130: {  	s0 =	rddreg [dreg:$0x0];
	s2 =	stileid.u32  }
0x131: {  	s1 =	rddreg [dreg:$0x1];
	p0 =	sne.s32 s2, $0x0  }
0x132: {  	s3 =	rddreg [dreg:$0x2];
	[bflag:$0x3] =	sbarrier.arrive $0xFFFF;
	s2 =	simm.s32 @!p0 $0x1C03  }
0x133: {  	[timem:s3], [sflag:s2] =	dma.local @!p0 [hbm:s0], s1  }
0x134: {  	s0 =	simm.s32 @!p0 $0x3  }
0x135: {  	_ =	swait.ge @!p0 [sflag:s0], s1  }
0x136: {  	s1 =	ssub.s32 @!p0 $0x0, s1;
	[sflag:s0] =	ssyncset.done @!p0 $0x0  }
0x137: {  	[sflag:s0] =	ssyncadd.s32 @!p0 s1  }
0x138: {  	[bflag:$0x3] =	sbarrier.arrive $0xFFFF  }
0x139: {  	_ =	shalt  }

</sc_bundles>
